<compile_context>
chip_gen: v7x
topology: tpu7x:2x2x1
jax: 0.10.2.dev20260603
libtpu: 0.0.44.dev20260713+nightly
codegen_flags: <defaults>
</compile_context>

<pallas_src>
import functools

import jax
import jax.numpy as jnp
from jax import lax
from jax.experimental import pallas as pl
from jax.experimental.pallas import tpu as pltpu
from jax.experimental.pallas import tpu_sc as plsc

BATCH = 4096
SEQ = 50
EMB = 128
NUM_CLASSES = 5

NC = 2
NS = 16
NW = NC * NS
BPW = BATCH // NW
NBUF = 8
LANES = 16
NJ = EMB // LANES


def _pool_body(x_hbm, table_hbm, out_hbm, idx_v, buf_v, acc_v,
               sem0, sem1, sem2, sem3, sem4, sem5, sem6, sem7):
    wid = lax.axis_index("s") * NC + lax.axis_index("c")
    base = wid * BPW

    pltpu.sync_copy(x_hbm.at[pl.ds(base, BPW)], idx_v)

    sems = (sem0, sem1, sem2, sem3, sem4, sem5, sem6, sem7)

    def issue(c, par):
        return pltpu.async_copy(table_hbm.at[idx_v.at[c]], buf_v.at[par],
                                sems[par])

    for p0 in range(NBUF):
        issue(p0, p0)

    def accumulate(par, c):
        zero = tuple(jnp.zeros((LANES,), jnp.float32) for _ in range(NJ))

        @plsc.parallel_loop(0, SEQ, unroll=5, carry=zero)
        def accs(s, accs):
            return tuple(
                accs[j] + buf_v[par, s, pl.ds(j * LANES, LANES)]
                for j in range(NJ))

        for j in range(NJ):
            acc_v[c, pl.ds(j * LANES, LANES)] = accs[j]

    def outer(g, _):
        for par in range(NBUF):
            c = g * NBUF + par
            pltpu.make_async_copy(table_hbm.at[idx_v.at[0]], buf_v.at[par],
                                  sems[par]).wait()
            accumulate(par, c)

            @pl.when(c + NBUF < BPW)
            def _():
                issue(c + NBUF, par)
        return 0

    lax.fori_loop(0, BPW // NBUF, outer, 0)

    pltpu.sync_copy(acc_v, out_hbm.at[pl.ds(base, BPW)])


_POOL_CACHE = []


def _pool(xi, table):
    if not _POOL_CACHE:
        _POOL_CACHE.append(functools.partial(
            pl.kernel,
            out_type=jax.ShapeDtypeStruct((BATCH, EMB), jnp.float32),
            mesh=plsc.VectorSubcoreMesh(core_axis_name="c",
                                        subcore_axis_name="s"),
            scratch_types=[
                pltpu.VMEM((BPW, SEQ), jnp.int32),
                pltpu.VMEM((NBUF, SEQ, EMB), jnp.float32),
                pltpu.VMEM((BPW, EMB), jnp.float32),
            ] + [pltpu.SemaphoreType.DMA] * 8,
        )(_pool_body))
    return _POOL_CACHE[0](xi, table)


def _cls_body(h_ref, w_ref, b_ref, o_ref):
    h = jnp.maximum(h_ref[...] * (1.0 / SEQ), 0.0)
    logits = lax.dot_general(h, w_ref[...], (((1,), (1,)), ((), ())),
                             preferred_element_type=jnp.float32)
    logits = logits + b_ref[...]
    m = jnp.max(logits, axis=1, keepdims=True)
    ex = jnp.exp(logits - m)
    lse = jnp.log(jnp.sum(ex, axis=1, keepdims=True)) + m
    o_ref[...] = logits - lse


def _classifier(pooled, W, b):
    blk = 1024
    grid = BATCH // blk
    return pl.pallas_call(
        _cls_body,
        grid=(grid,),
        in_specs=[
            pl.BlockSpec((blk, EMB), lambda i: (i, 0)),
            pl.BlockSpec((NUM_CLASSES, EMB), lambda i: (0, 0)),
            pl.BlockSpec((1, NUM_CLASSES), lambda i: (0, 0)),
        ],
        out_specs=pl.BlockSpec((blk, NUM_CLASSES), lambda i: (i, 0)),
        out_shape=jax.ShapeDtypeStruct((BATCH, NUM_CLASSES), jnp.float32),
    )(pooled, W, b)


def kernel(x, table, W, b):
    pooled = _pool(x.astype(jnp.int32), table)
    return _classifier(pooled, W, b.reshape(1, NUM_CLASSES))

# --- scband reference (transcript-rebuilt; emitter-appended) ---
"""Pipeline reference for scband-ffnn-39633958207505 (READ-ONLY COPY).

The authoritative reference and input builder live on the scoring server;
editing this copy changes nothing except your own understanding.
"""

import jax, jax.numpy as jnp
import numpy as np

BATCH = 4096
SEQ = 50
VOCAB = 100000
EMB = 128
NUM_CLASSES = 5


def setup_inputs(seed: int = 0) -> dict:
    key = jax.random.key(seed)
    k1, k2, k3 = jax.random.split(key, 3)
    x = jax.random.randint(k1, (BATCH, SEQ), 0, VOCAB)
    table = jax.random.normal(k2, (VOCAB, EMB), dtype=jnp.float32) * 0.02
    # xavier_uniform for W: bound = sqrt(6/(fan_in+fan_out))
    bound = float(np.sqrt(6.0 / (EMB + NUM_CLASSES)))
    W = jax.random.uniform(k3, (NUM_CLASSES, EMB), dtype=jnp.float32, minval=-bound, maxval=bound)
    b = jnp.zeros((NUM_CLASSES,), dtype=jnp.float32)
    return {"x": x, "table": table, "W": W, "b": b}


def reference(x, table, W, b):
    # embedding lookup (frozen table in the original torch module)
    emb = jnp.take(table, x, axis=0)            # [B, S, D]
    h = emb.mean(axis=1)                        # [B, D]
    h = h.reshape(h.shape[0], -1)
    h = jax.nn.relu(h)
    logits = h @ W.T + b                        # [B, C]
    return jax.nn.log_softmax(logits, axis=1)

if __name__ == "__main__":
    import jax
    _d = setup_inputs()
    print(jax.jit(kernel)(*tuple(_d.values())))

</pallas_src>

<mosaic_0001>
#map = affine_map<(d0, d1) -> (0, 0)>
module attributes {stable_mosaic.version = 14 : i64} {
  func.func @_pool_body(%arg0: i32, %arg1: i32, %arg2: memref<4096x50xi32, #tpu.memory_space<hbm>>, %arg3: memref<100000x128xf32, #tpu.memory_space<hbm>>, %arg4: memref<4096x128xf32, #tpu.memory_space<hbm>>, %arg5: memref<128x50xi32, #tpu.memory_space<vmem>>, %arg6: memref<8x50x128xf32, #tpu.memory_space<vmem>>, %arg7: memref<128x128xf32, #tpu.memory_space<vmem>>, %arg8: memref<!tpu.dma_semaphore, #tpu.memory_space<semaphore_mem>>, %arg9: memref<!tpu.dma_semaphore, #tpu.memory_space<semaphore_mem>>, %arg10: memref<!tpu.dma_semaphore, #tpu.memory_space<semaphore_mem>>, %arg11: memref<!tpu.dma_semaphore, #tpu.memory_space<semaphore_mem>>, %arg12: memref<!tpu.dma_semaphore, #tpu.memory_space<semaphore_mem>>, %arg13: memref<!tpu.dma_semaphore, #tpu.memory_space<semaphore_mem>>, %arg14: memref<!tpu.dma_semaphore, #tpu.memory_space<semaphore_mem>>, %arg15: memref<!tpu.dma_semaphore, #tpu.memory_space<semaphore_mem>>) attributes {dimension_semantics = [#tpu.dimension_semantics<core_parallel>, #tpu.dimension_semantics<subcore_parallel>], iteration_bounds = array<i64: 2, 16>, scalar_prefetch = 0 : i64, scratch_operands = 11 : i64, tpu.core_type = #tpu.core_type<sc_vector_subcore>, window_params = [{transform_indices = #map}, {transform_indices = #map}, {transform_indices = #map}]} {
    %mul3A = arith.constant 2 : i32
    %mul3A_0 = arith.muli %arg1, %mul3A : i32
    %add3A = arith.addi %mul3A_0, %arg0 : i32
    %mul3A_1 = arith.constant 128 : i32
    %mul3A_2 = arith.muli %add3A, %mul3A_1 : i32
    "tpu.region"() ({
      %run_scoped3A = tpu.sem_alloc : memref<!tpu.dma_semaphore, #tpu.memory_space<semaphore_mem>>
      %dma_start3A_104 = arith.constant 0 : i32
      %dma_start3A_105 = tpu.memref_slice %arg2[%mul3A_2, %dma_start3A_104] : memref<4096x50xi32, #tpu.memory_space<hbm>> -> memref<128x50xi32, #tpu.memory_space<hbm>>
      %dma_start3A_106 = arith.constant 0 : i32
      %dma_start3A_107 = tpu.memref_slice %arg2[%mul3A_2, %dma_start3A_106] : memref<4096x50xi32, #tpu.memory_space<hbm>> -> memref<128x50xi32, #tpu.memory_space<hbm>>
      tpu.enqueue_dma source(%dma_start3A_107 : memref<128x50xi32, #tpu.memory_space<hbm>>) target(%arg5 : memref<128x50xi32, #tpu.memory_space<vmem>>) target_semaphore(%run_scoped3A : memref<!tpu.dma_semaphore, #tpu.memory_space<semaphore_mem>>)
      %dma_wait3A = arith.constant 0 : i32
      %dma_wait3A_108 = tpu.memref_slice %arg2[%mul3A_2, %dma_wait3A] : memref<4096x50xi32, #tpu.memory_space<hbm>> -> memref<128x50xi32, #tpu.memory_space<hbm>>
      %dma_wait3A_109 = arith.constant 0 : i32
      %dma_wait3A_110 = tpu.memref_slice %arg2[%mul3A_2, %dma_wait3A_109] : memref<4096x50xi32, #tpu.memory_space<hbm>> -> memref<128x50xi32, #tpu.memory_space<hbm>>
      tpu.wait_dma2 semaphore(%run_scoped3A : memref<!tpu.dma_semaphore, #tpu.memory_space<semaphore_mem>>) src(%dma_wait3A_110 : memref<128x50xi32, #tpu.memory_space<hbm>>) dst(%arg5 : memref<128x50xi32, #tpu.memory_space<vmem>>)
      tpu.yield
    }) : () -> ()
    %dma_start3A = arith.constant 0 : i32
    %dma_start3A_3 = arith.constant 0 : i32
    %dma_start3A_4 = arith.constant 0 : i32
    %dma_start3A_5 = arith.constant 0 : i32
    %dma_start3A_6 = tpu.memref_slice %arg6[%dma_start3A_3, %dma_start3A_4, %dma_start3A_5] : memref<8x50x128xf32, #tpu.memory_space<vmem>> -> memref<1x50x128xf32, #tpu.memory_space<vmem>>
    %dma_start3A_7 = tpu.memref_squeeze %dma_start3A_6 : memref<1x50x128xf32, #tpu.memory_space<vmem>> -> memref<50x128xf32, #tpu.memory_space<vmem>>
    %dma_start3A_8 = arith.constant 0 : i32
    %dma_start3A_9 = tpu.memref_slice %arg5[%dma_start3A, %dma_start3A_8] : memref<128x50xi32, #tpu.memory_space<vmem>> -> memref<1x50xi32, #tpu.memory_space<vmem>>
    %dma_start3A_10 = tpu.memref_squeeze %dma_start3A_9 : memref<1x50xi32, #tpu.memory_space<vmem>> -> memref<50xi32, #tpu.memory_space<vmem>>
    %dma_start3A_11 = arith.constant 0 : i32
    %dma_start3A_12 = arith.constant 0 : i32
    %dma_start3A_13 = tpu.memref_slice %arg3[%dma_start3A_11, %dma_start3A_12] : memref<100000x128xf32, #tpu.memory_space<hbm>> -> memref<100000x128xf32, #tpu.memory_space<hbm>>
    tpu.enqueue_indirect_dma source(%dma_start3A_13 : memref<100000x128xf32, #tpu.memory_space<hbm>>) target(%dma_start3A_7 : memref<50x128xf32, #tpu.memory_space<vmem>>) offsets(%dma_start3A_10 : memref<50xi32, #tpu.memory_space<vmem>>) semaphore(%arg8 : memref<!tpu.dma_semaphore, #tpu.memory_space<semaphore_mem>>)
    %dma_start3A_14 = arith.constant 1 : i32
    %dma_start3A_15 = arith.constant 1 : i32
    %dma_start3A_16 = arith.constant 0 : i32
    %dma_start3A_17 = arith.constant 0 : i32
    %dma_start3A_18 = tpu.memref_slice %arg6[%dma_start3A_15, %dma_start3A_16, %dma_start3A_17] : memref<8x50x128xf32, #tpu.memory_space<vmem>> -> memref<1x50x128xf32, #tpu.memory_space<vmem>>
    %dma_start3A_19 = tpu.memref_squeeze %dma_start3A_18 : memref<1x50x128xf32, #tpu.memory_space<vmem>> -> memref<50x128xf32, #tpu.memory_space<vmem>>
    %dma_start3A_20 = arith.constant 0 : i32
    %dma_start3A_21 = tpu.memref_slice %arg5[%dma_start3A_14, %dma_start3A_20] : memref<128x50xi32, #tpu.memory_space<vmem>> -> memref<1x50xi32, #tpu.memory_space<vmem>>
    %dma_start3A_22 = tpu.memref_squeeze %dma_start3A_21 : memref<1x50xi32, #tpu.memory_space<vmem>> -> memref<50xi32, #tpu.memory_space<vmem>>
    %dma_start3A_23 = arith.constant 0 : i32
    %dma_start3A_24 = arith.constant 0 : i32
    %dma_start3A_25 = tpu.memref_slice %arg3[%dma_start3A_23, %dma_start3A_24] : memref<100000x128xf32, #tpu.memory_space<hbm>> -> memref<100000x128xf32, #tpu.memory_space<hbm>>
    tpu.enqueue_indirect_dma source(%dma_start3A_25 : memref<100000x128xf32, #tpu.memory_space<hbm>>) target(%dma_start3A_19 : memref<50x128xf32, #tpu.memory_space<vmem>>) offsets(%dma_start3A_22 : memref<50xi32, #tpu.memory_space<vmem>>) semaphore(%arg9 : memref<!tpu.dma_semaphore, #tpu.memory_space<semaphore_mem>>)
    %dma_start3A_26 = arith.constant 2 : i32
    %dma_start3A_27 = arith.constant 2 : i32
    %dma_start3A_28 = arith.constant 0 : i32
    %dma_start3A_29 = arith.constant 0 : i32
    %dma_start3A_30 = tpu.memref_slice %arg6[%dma_start3A_27, %dma_start3A_28, %dma_start3A_29] : memref<8x50x128xf32, #tpu.memory_space<vmem>> -> memref<1x50x128xf32, #tpu.memory_space<vmem>>
    %dma_start3A_31 = tpu.memref_squeeze %dma_start3A_30 : memref<1x50x128xf32, #tpu.memory_space<vmem>> -> memref<50x128xf32, #tpu.memory_space<vmem>>
    %dma_start3A_32 = arith.constant 0 : i32
    %dma_start3A_33 = tpu.memref_slice %arg5[%dma_start3A_26, %dma_start3A_32] : memref<128x50xi32, #tpu.memory_space<vmem>> -> memref<1x50xi32, #tpu.memory_space<vmem>>
    %dma_start3A_34 = tpu.memref_squeeze %dma_start3A_33 : memref<1x50xi32, #tpu.memory_space<vmem>> -> memref<50xi32, #tpu.memory_space<vmem>>
    %dma_start3A_35 = arith.constant 0 : i32
    %dma_start3A_36 = arith.constant 0 : i32
    %dma_start3A_37 = tpu.memref_slice %arg3[%dma_start3A_35, %dma_start3A_36] : memref<100000x128xf32, #tpu.memory_space<hbm>> -> memref<100000x128xf32, #tpu.memory_space<hbm>>
    tpu.enqueue_indirect_dma source(%dma_start3A_37 : memref<100000x128xf32, #tpu.memory_space<hbm>>) target(%dma_start3A_31 : memref<50x128xf32, #tpu.memory_space<vmem>>) offsets(%dma_start3A_34 : memref<50xi32, #tpu.memory_space<vmem>>) semaphore(%arg10 : memref<!tpu.dma_semaphore, #tpu.memory_space<semaphore_mem>>)
    %dma_start3A_38 = arith.constant 3 : i32
    %dma_start3A_39 = arith.constant 3 : i32
    %dma_start3A_40 = arith.constant 0 : i32
    %dma_start3A_41 = arith.constant 0 : i32
    %dma_start3A_42 = tpu.memref_slice %arg6[%dma_start3A_39, %dma_start3A_40, %dma_start3A_41] : memref<8x50x128xf32, #tpu.memory_space<vmem>> -> memref<1x50x128xf32, #tpu.memory_space<vmem>>
    %dma_start3A_43 = tpu.memref_squeeze %dma_start3A_42 : memref<1x50x128xf32, #tpu.memory_space<vmem>> -> memref<50x128xf32, #tpu.memory_space<vmem>>
    %dma_start3A_44 = arith.constant 0 : i32
    %dma_start3A_45 = tpu.memref_slice %arg5[%dma_start3A_38, %dma_start3A_44] : memref<128x50xi32, #tpu.memory_space<vmem>> -> memref<1x50xi32, #tpu.memory_space<vmem>>
    %dma_start3A_46 = tpu.memref_squeeze %dma_start3A_45 : memref<1x50xi32, #tpu.memory_space<vmem>> -> memref<50xi32, #tpu.memory_space<vmem>>
    %dma_start3A_47 = arith.constant 0 : i32
    %dma_start3A_48 = arith.constant 0 : i32
    %dma_start3A_49 = tpu.memref_slice %arg3[%dma_start3A_47, %dma_start3A_48] : memref<100000x128xf32, #tpu.memory_space<hbm>> -> memref<100000x128xf32, #tpu.memory_space<hbm>>
    tpu.enqueue_indirect_dma source(%dma_start3A_49 : memref<100000x128xf32, #tpu.memory_space<hbm>>) target(%dma_start3A_43 : memref<50x128xf32, #tpu.memory_space<vmem>>) offsets(%dma_start3A_46 : memref<50xi32, #tpu.memory_space<vmem>>) semaphore(%arg11 : memref<!tpu.dma_semaphore, #tpu.memory_space<semaphore_mem>>)
    %dma_start3A_50 = arith.constant 4 : i32
    %dma_start3A_51 = arith.constant 4 : i32
    %dma_start3A_52 = arith.constant 0 : i32
    %dma_start3A_53 = arith.constant 0 : i32
    %dma_start3A_54 = tpu.memref_slice %arg6[%dma_start3A_51, %dma_start3A_52, %dma_start3A_53] : memref<8x50x128xf32, #tpu.memory_space<vmem>> -> memref<1x50x128xf32, #tpu.memory_space<vmem>>
    %dma_start3A_55 = tpu.memref_squeeze %dma_start3A_54 : memref<1x50x128xf32, #tpu.memory_space<vmem>> -> memref<50x128xf32, #tpu.memory_space<vmem>>
    %dma_start3A_56 = arith.constant 0 : i32
    %dma_start3A_57 = tpu.memref_slice %arg5[%dma_start3A_50, %dma_start3A_56] : memref<128x50xi32, #tpu.memory_space<vmem>> -> memref<1x50xi32, #tpu.memory_space<vmem>>
    %dma_start3A_58 = tpu.memref_squeeze %dma_start3A_57 : memref<1x50xi32, #tpu.memory_space<vmem>> -> memref<50xi32, #tpu.memory_space<vmem>>
    %dma_start3A_59 = arith.constant 0 : i32
    %dma_start3A_60 = arith.constant 0 : i32
    %dma_start3A_61 = tpu.memref_slice %arg3[%dma_start3A_59, %dma_start3A_60] : memref<100000x128xf32, #tpu.memory_space<hbm>> -> memref<100000x128xf32, #tpu.memory_space<hbm>>
    tpu.enqueue_indirect_dma source(%dma_start3A_61 : memref<100000x128xf32, #tpu.memory_space<hbm>>) target(%dma_start3A_55 : memref<50x128xf32, #tpu.memory_space<vmem>>) offsets(%dma_start3A_58 : memref<50xi32, #tpu.memory_space<vmem>>) semaphore(%arg12 : memref<!tpu.dma_semaphore, #tpu.memory_space<semaphore_mem>>)
    %dma_start3A_62 = arith.constant 5 : i32
    %dma_start3A_63 = arith.constant 5 : i32
    %dma_start3A_64 = arith.constant 0 : i32
    %dma_start3A_65 = arith.constant 0 : i32
    %dma_start3A_66 = tpu.memref_slice %arg6[%dma_start3A_63, %dma_start3A_64, %dma_start3A_65] : memref<8x50x128xf32, #tpu.memory_space<vmem>> -> memref<1x50x128xf32, #tpu.memory_space<vmem>>
    %dma_start3A_67 = tpu.memref_squeeze %dma_start3A_66 : memref<1x50x128xf32, #tpu.memory_space<vmem>> -> memref<50x128xf32, #tpu.memory_space<vmem>>
    %dma_start3A_68 = arith.constant 0 : i32
    %dma_start3A_69 = tpu.memref_slice %arg5[%dma_start3A_62, %dma_start3A_68] : memref<128x50xi32, #tpu.memory_space<vmem>> -> memref<1x50xi32, #tpu.memory_space<vmem>>
    %dma_start3A_70 = tpu.memref_squeeze %dma_start3A_69 : memref<1x50xi32, #tpu.memory_space<vmem>> -> memref<50xi32, #tpu.memory_space<vmem>>
    %dma_start3A_71 = arith.constant 0 : i32
    %dma_start3A_72 = arith.constant 0 : i32
    %dma_start3A_73 = tpu.memref_slice %arg3[%dma_start3A_71, %dma_start3A_72] : memref<100000x128xf32, #tpu.memory_space<hbm>> -> memref<100000x128xf32, #tpu.memory_space<hbm>>
    tpu.enqueue_indirect_dma source(%dma_start3A_73 : memref<100000x128xf32, #tpu.memory_space<hbm>>) target(%dma_start3A_67 : memref<50x128xf32, #tpu.memory_space<vmem>>) offsets(%dma_start3A_70 : memref<50xi32, #tpu.memory_space<vmem>>) semaphore(%arg13 : memref<!tpu.dma_semaphore, #tpu.memory_space<semaphore_mem>>)
    %dma_start3A_74 = arith.constant 6 : i32
    %dma_start3A_75 = arith.constant 6 : i32
    %dma_start3A_76 = arith.constant 0 : i32
    %dma_start3A_77 = arith.constant 0 : i32
    %dma_start3A_78 = tpu.memref_slice %arg6[%dma_start3A_75, %dma_start3A_76, %dma_start3A_77] : memref<8x50x128xf32, #tpu.memory_space<vmem>> -> memref<1x50x128xf32, #tpu.memory_space<vmem>>
    %dma_start3A_79 = tpu.memref_squeeze %dma_start3A_78 : memref<1x50x128xf32, #tpu.memory_space<vmem>> -> memref<50x128xf32, #tpu.memory_space<vmem>>
    %dma_start3A_80 = arith.constant 0 : i32
    %dma_start3A_81 = tpu.memref_slice %arg5[%dma_start3A_74, %dma_start3A_80] : memref<128x50xi32, #tpu.memory_space<vmem>> -> memref<1x50xi32, #tpu.memory_space<vmem>>
    %dma_start3A_82 = tpu.memref_squeeze %dma_start3A_81 : memref<1x50xi32, #tpu.memory_space<vmem>> -> memref<50xi32, #tpu.memory_space<vmem>>
    %dma_start3A_83 = arith.constant 0 : i32
    %dma_start3A_84 = arith.constant 0 : i32
    %dma_start3A_85 = tpu.memref_slice %arg3[%dma_start3A_83, %dma_start3A_84] : memref<100000x128xf32, #tpu.memory_space<hbm>> -> memref<100000x128xf32, #tpu.memory_space<hbm>>
    tpu.enqueue_indirect_dma source(%dma_start3A_85 : memref<100000x128xf32, #tpu.memory_space<hbm>>) target(%dma_start3A_79 : memref<50x128xf32, #tpu.memory_space<vmem>>) offsets(%dma_start3A_82 : memref<50xi32, #tpu.memory_space<vmem>>) semaphore(%arg14 : memref<!tpu.dma_semaphore, #tpu.memory_space<semaphore_mem>>)
    %dma_start3A_86 = arith.constant 7 : i32
    %dma_start3A_87 = arith.constant 7 : i32
    %dma_start3A_88 = arith.constant 0 : i32
    %dma_start3A_89 = arith.constant 0 : i32
    %dma_start3A_90 = tpu.memref_slice %arg6[%dma_start3A_87, %dma_start3A_88, %dma_start3A_89] : memref<8x50x128xf32, #tpu.memory_space<vmem>> -> memref<1x50x128xf32, #tpu.memory_space<vmem>>
    %dma_start3A_91 = tpu.memref_squeeze %dma_start3A_90 : memref<1x50x128xf32, #tpu.memory_space<vmem>> -> memref<50x128xf32, #tpu.memory_space<vmem>>
    %dma_start3A_92 = arith.constant 0 : i32
    %dma_start3A_93 = tpu.memref_slice %arg5[%dma_start3A_86, %dma_start3A_92] : memref<128x50xi32, #tpu.memory_space<vmem>> -> memref<1x50xi32, #tpu.memory_space<vmem>>
    %dma_start3A_94 = tpu.memref_squeeze %dma_start3A_93 : memref<1x50xi32, #tpu.memory_space<vmem>> -> memref<50xi32, #tpu.memory_space<vmem>>
    %dma_start3A_95 = arith.constant 0 : i32
    %dma_start3A_96 = arith.constant 0 : i32
    %dma_start3A_97 = tpu.memref_slice %arg3[%dma_start3A_95, %dma_start3A_96] : memref<100000x128xf32, #tpu.memory_space<hbm>> -> memref<100000x128xf32, #tpu.memory_space<hbm>>
    tpu.enqueue_indirect_dma source(%dma_start3A_97 : memref<100000x128xf32, #tpu.memory_space<hbm>>) target(%dma_start3A_91 : memref<50x128xf32, #tpu.memory_space<vmem>>) offsets(%dma_start3A_94 : memref<50xi32, #tpu.memory_space<vmem>>) semaphore(%arg15 : memref<!tpu.dma_semaphore, #tpu.memory_space<semaphore_mem>>)
    %scan3A = arith.constant 0 : i32
    %scan3A_98 = arith.constant 0 : i32
    %scan3A_99 = arith.constant 16 : i32
    %scan3A_100 = arith.addi %scan3A_98, %scan3A_99 : i32
    %scan3A_101 = arith.constant 1 : i32
    %scan3A_102 = scf.for %scan3A_104 = %scan3A_98 to %scan3A_100 step %scan3A_101 iter_args(%scan3A_105 = %scan3A) -> (i32)  : i32 {
      %mul3A_106 = arith.constant 8 : i32
      %mul3A_107 = arith.muli %scan3A_104, %mul3A_106 : i32
      %add3A_108 = arith.constant 0 : i32
      %add3A_109 = arith.addi %mul3A_107, %add3A_108 : i32
      %dma_wait3A = arith.constant 0 : i32
      %dma_wait3A_110 = arith.constant 0 : i32
      %dma_wait3A_111 = arith.constant 0 : i32
      %dma_wait3A_112 = arith.constant 0 : i32
      %dma_wait3A_113 = tpu.memref_slice %arg6[%dma_wait3A_110, %dma_wait3A_111, %dma_wait3A_112] : memref<8x50x128xf32, #tpu.memory_space<vmem>> -> memref<1x50x128xf32, #tpu.memory_space<vmem>>
      %dma_wait3A_114 = tpu.memref_squeeze %dma_wait3A_113 : memref<1x50x128xf32, #tpu.memory_space<vmem>> -> memref<50x128xf32, #tpu.memory_space<vmem>>
      %dma_wait3A_115 = arith.constant 0 : i32
      %dma_wait3A_116 = tpu.memref_slice %arg5[%dma_wait3A, %dma_wait3A_115] : memref<128x50xi32, #tpu.memory_space<vmem>> -> memref<1x50xi32, #tpu.memory_space<vmem>>
      %dma_wait3A_117 = tpu.memref_squeeze %dma_wait3A_116 : memref<1x50xi32, #tpu.memory_space<vmem>> -> memref<50xi32, #tpu.memory_space<vmem>>
      %dma_wait3A_118 = arith.constant 0 : i32
      %dma_wait3A_119 = arith.constant 0 : i32
      %dma_wait3A_120 = tpu.memref_slice %arg3[%dma_wait3A_118, %dma_wait3A_119] : memref<100000x128xf32, #tpu.memory_space<hbm>> -> memref<100000x128xf32, #tpu.memory_space<hbm>>
      tpu.wait_indirect_dma semaphore(%arg8 : memref<!tpu.dma_semaphore, #tpu.memory_space<semaphore_mem>>) src(%dma_wait3A_120 : memref<100000x128xf32, #tpu.memory_space<hbm>>) dst(%dma_wait3A_114 : memref<50x128xf32, #tpu.memory_space<vmem>>)
      %broadcast_in_dim3A = arith.constant 0.000000e+00 : f32
      %broadcast_in_dim3A_121 = vector.broadcast %broadcast_in_dim3A : f32 to vector<16xf32>
      %broadcast_in_dim3A_122 = arith.constant 0.000000e+00 : f32
      %broadcast_in_dim3A_123 = vector.broadcast %broadcast_in_dim3A_122 : f32 to vector<16xf32>
      %broadcast_in_dim3A_124 = arith.constant 0.000000e+00 : f32
      %broadcast_in_dim3A_125 = vector.broadcast %broadcast_in_dim3A_124 : f32 to vector<16xf32>
      %broadcast_in_dim3A_126 = arith.constant 0.000000e+00 : f32
      %broadcast_in_dim3A_127 = vector.broadcast %broadcast_in_dim3A_126 : f32 to vector<16xf32>
      %broadcast_in_dim3A_128 = arith.constant 0.000000e+00 : f32
      %broadcast_in_dim3A_129 = vector.broadcast %broadcast_in_dim3A_128 : f32 to vector<16xf32>
      %broadcast_in_dim3A_130 = arith.constant 0.000000e+00 : f32
      %broadcast_in_dim3A_131 = vector.broadcast %broadcast_in_dim3A_130 : f32 to vector<16xf32>
      %broadcast_in_dim3A_132 = arith.constant 0.000000e+00 : f32
      %broadcast_in_dim3A_133 = vector.broadcast %broadcast_in_dim3A_132 : f32 to vector<16xf32>
      %broadcast_in_dim3A_134 = arith.constant 0.000000e+00 : f32
      %broadcast_in_dim3A_135 = vector.broadcast %broadcast_in_dim3A_134 : f32 to vector<16xf32>
      %parallel_loop3A = arith.constant 0 : i32
      %parallel_loop3A_136 = arith.constant 50 : i32
      %parallel_loop3A_137 = arith.constant 1 : i32
      %parallel_loop3A_138:8 = scf.for %parallel_loop3A_764 = %parallel_loop3A to %parallel_loop3A_136 step %parallel_loop3A_137 iter_args(%parallel_loop3A_765 = %broadcast_in_dim3A_121, %parallel_loop3A_766 = %broadcast_in_dim3A_123, %parallel_loop3A_767 = %broadcast_in_dim3A_125, %parallel_loop3A_768 = %broadcast_in_dim3A_127, %parallel_loop3A_769 = %broadcast_in_dim3A_129, %parallel_loop3A_770 = %broadcast_in_dim3A_131, %parallel_loop3A_771 = %broadcast_in_dim3A_133, %parallel_loop3A_772 = %broadcast_in_dim3A_135) -> (vector<16xf32>, vector<16xf32>, vector<16xf32>, vector<16xf32>, vector<16xf32>, vector<16xf32>, vector<16xf32>, vector<16xf32>)  : i32 {
        %parallel_loop3A_773 = arith.constant 0 : i32
        %parallel_loop3A_774 = arith.index_cast %parallel_loop3A_773 : i32 to index
        %parallel_loop3A_775 = arith.index_cast %parallel_loop3A_764 : i32 to index
        %parallel_loop3A_776 = arith.constant 0 : index
        %parallel_loop3A_777 = tpu.vector_load %arg6[%parallel_loop3A_774, %parallel_loop3A_775, %parallel_loop3A_776] {strides = array<i32>} : memref<8x50x128xf32, #tpu.memory_space<vmem>>, vector<1x1x16xf32>,
        %parallel_loop3A_778 = vector.shape_cast %parallel_loop3A_777 : vector<1x1x16xf32> to vector<16xf32>
        %parallel_loop3A_779 = arith.addf %parallel_loop3A_765, %parallel_loop3A_778 : vector<16xf32>
        %parallel_loop3A_780 = arith.constant 0 : i32
        %parallel_loop3A_781 = arith.index_cast %parallel_loop3A_780 : i32 to index
        %parallel_loop3A_782 = arith.index_cast %parallel_loop3A_764 : i32 to index
        %parallel_loop3A_783 = arith.constant 16 : index
        %parallel_loop3A_784 = tpu.vector_load %arg6[%parallel_loop3A_781, %parallel_loop3A_782, %parallel_loop3A_783] {strides = array<i32>} : memref<8x50x128xf32, #tpu.memory_space<vmem>>, vector<1x1x16xf32>,
        %parallel_loop3A_785 = vector.shape_cast %parallel_loop3A_784 : vector<1x1x16xf32> to vector<16xf32>
        %parallel_loop3A_786 = arith.addf %parallel_loop3A_766, %parallel_loop3A_785 : vector<16xf32>
        %parallel_loop3A_787 = arith.constant 0 : i32
        %parallel_loop3A_788 = arith.index_cast %parallel_loop3A_787 : i32 to index
        %parallel_loop3A_789 = arith.index_cast %parallel_loop3A_764 : i32 to index
        %parallel_loop3A_790 = arith.constant 32 : index
        %parallel_loop3A_791 = tpu.vector_load %arg6[%parallel_loop3A_788, %parallel_loop3A_789, %parallel_loop3A_790] {strides = array<i32>} : memref<8x50x128xf32, #tpu.memory_space<vmem>>, vector<1x1x16xf32>,
        %parallel_loop3A_792 = vector.shape_cast %parallel_loop3A_791 : vector<1x1x16xf32> to vector<16xf32>
        %parallel_loop3A_793 = arith.addf %parallel_loop3A_767, %parallel_loop3A_792 : vector<16xf32>
        %parallel_loop3A_794 = arith.constant 0 : i32
        %parallel_loop3A_795 = arith.index_cast %parallel_loop3A_794 : i32 to index
        %parallel_loop3A_796 = arith.index_cast %parallel_loop3A_764 : i32 to index
        %parallel_loop3A_797 = arith.constant 48 : index
        %parallel_loop3A_798 = tpu.vector_load %arg6[%parallel_loop3A_795, %parallel_loop3A_796, %parallel_loop3A_797] {strides = array<i32>} : memref<8x50x128xf32, #tpu.memory_space<vmem>>, vector<1x1x16xf32>,
        %parallel_loop3A_799 = vector.shape_cast %parallel_loop3A_798 : vector<1x1x16xf32> to vector<16xf32>
        %parallel_loop3A_800 = arith.addf %parallel_loop3A_768, %parallel_loop3A_799 : vector<16xf32>
        %parallel_loop3A_801 = arith.constant 0 : i32
        %parallel_loop3A_802 = arith.index_cast %parallel_loop3A_801 : i32 to index
        %parallel_loop3A_803 = arith.index_cast %parallel_loop3A_764 : i32 to index
        %parallel_loop3A_804 = arith.constant 64 : index
        %parallel_loop3A_805 = tpu.vector_load %arg6[%parallel_loop3A_802, %parallel_loop3A_803, %parallel_loop3A_804] {strides = array<i32>} : memref<8x50x128xf32, #tpu.memory_space<vmem>>, vector<1x1x16xf32>,
        %parallel_loop3A_806 = vector.shape_cast %parallel_loop3A_805 : vector<1x1x16xf32> to vector<16xf32>
        %parallel_loop3A_807 = arith.addf %parallel_loop3A_769, %parallel_loop3A_806 : vector<16xf32>
        %parallel_loop3A_808 = arith.constant 0 : i32
        %parallel_loop3A_809 = arith.index_cast %parallel_loop3A_808 : i32 to index
        %parallel_loop3A_810 = arith.index_cast %parallel_loop3A_764 : i32 to index
        %parallel_loop3A_811 = arith.constant 80 : index
        %parallel_loop3A_812 = tpu.vector_load %arg6[%parallel_loop3A_809, %parallel_loop3A_810, %parallel_loop3A_811] {strides = array<i32>} : memref<8x50x128xf32, #tpu.memory_space<vmem>>, vector<1x1x16xf32>,
        %parallel_loop3A_813 = vector.shape_cast %parallel_loop3A_812 : vector<1x1x16xf32> to vector<16xf32>
        %parallel_loop3A_814 = arith.addf %parallel_loop3A_770, %parallel_loop3A_813 : vector<16xf32>
        %parallel_loop3A_815 = arith.constant 0 : i32
        %parallel_loop3A_816 = arith.index_cast %parallel_loop3A_815 : i32 to index
        %parallel_loop3A_817 = arith.index_cast %parallel_loop3A_764 : i32 to index
        %parallel_loop3A_818 = arith.constant 96 : index
        %parallel_loop3A_819 = tpu.vector_load %arg6[%parallel_loop3A_816, %parallel_loop3A_817, %parallel_loop3A_818] {strides = array<i32>} : memref<8x50x128xf32, #tpu.memory_space<vmem>>, vector<1x1x16xf32>,
        %parallel_loop3A_820 = vector.shape_cast %parallel_loop3A_819 : vector<1x1x16xf32> to vector<16xf32>
        %parallel_loop3A_821 = arith.addf %parallel_loop3A_771, %parallel_loop3A_820 : vector<16xf32>
        %parallel_loop3A_822 = arith.constant 0 : i32
        %parallel_loop3A_823 = arith.index_cast %parallel_loop3A_822 : i32 to index
        %parallel_loop3A_824 = arith.index_cast %parallel_loop3A_764 : i32 to index
        %parallel_loop3A_825 = arith.constant 112 : index
        %parallel_loop3A_826 = tpu.vector_load %arg6[%parallel_loop3A_823, %parallel_loop3A_824, %parallel_loop3A_825] {strides = array<i32>} : memref<8x50x128xf32, #tpu.memory_space<vmem>>, vector<1x1x16xf32>,
        %parallel_loop3A_827 = vector.shape_cast %parallel_loop3A_826 : vector<1x1x16xf32> to vector<16xf32>
        %parallel_loop3A_828 = arith.addf %parallel_loop3A_772, %parallel_loop3A_827 : vector<16xf32>
        scf.yield %parallel_loop3A_779, %parallel_loop3A_786, %parallel_loop3A_793, %parallel_loop3A_800, %parallel_loop3A_807, %parallel_loop3A_814, %parallel_loop3A_821, %parallel_loop3A_828 : vector<16xf32>, vector<16xf32>, vector<16xf32>, vector<16xf32>, vector<16xf32>, vector<16xf32>, vector<16xf32>, vector<16xf32>
      } {sc.loop_unroll_factor = 5 : i64, sc.parallel_access}
      %swap3A = arith.index_cast %add3A_109 : i32 to index
      %swap3A_139 = arith.constant 0 : index
      %swap3A_140 = tpu.vector_load %arg7[%swap3A, %swap3A_139] {strides = array<i32>} : memref<128x128xf32, #tpu.memory_space<vmem>>, vector<1x16xf32>,
      %swap3A_141 = vector.shape_cast %swap3A_140 : vector<1x16xf32> to vector<16xf32>
      %swap3A_142 = vector.shape_cast %parallel_loop3A_138#0 : vector<16xf32> to vector<1x16xf32>
      tpu.vector_store %arg7[%swap3A, %swap3A_139], %swap3A_142 {strides = array<i32>} : memref<128x128xf32, #tpu.memory_space<vmem>>, vector<1x16xf32>,
      %swap3A_143 = arith.index_cast %add3A_109 : i32 to index
      %swap3A_144 = arith.constant 16 : index
      %swap3A_145 = tpu.vector_load %arg7[%swap3A_143, %swap3A_144] {strides = array<i32>} : memref<128x128xf32, #tpu.memory_space<vmem>>, vector<1x16xf32>,
      %swap3A_146 = vector.shape_cast %swap3A_145 : vector<1x16xf32> to vector<16xf32>
      %swap3A_147 = vector.shape_cast %parallel_loop3A_138#1 : vector<16xf32> to vector<1x16xf32>
      tpu.vector_store %arg7[%swap3A_143, %swap3A_144], %swap3A_147 {strides = array<i32>} : memref<128x128xf32, #tpu.memory_space<vmem>>, vector<1x16xf32>,
      %swap3A_148 = arith.index_cast %add3A_109 : i32 to index
      %swap3A_149 = arith.constant 32 : index
      %swap3A_150 = tpu.vector_load %arg7[%swap3A_148, %swap3A_149] {strides = array<i32>} : memref<128x128xf32, #tpu.memory_space<vmem>>, vector<1x16xf32>,
      %swap3A_151 = vector.shape_cast %swap3A_150 : vector<1x16xf32> to vector<16xf32>
      %swap3A_152 = vector.shape_cast %parallel_loop3A_138#2 : vector<16xf32> to vector<1x16xf32>
      tpu.vector_store %arg7[%swap3A_148, %swap3A_149], %swap3A_152 {strides = array<i32>} : memref<128x128xf32, #tpu.memory_space<vmem>>, vector<1x16xf32>,
      %swap3A_153 = arith.index_cast %add3A_109 : i32 to index
      %swap3A_154 = arith.constant 48 : index
      %swap3A_155 = tpu.vector_load %arg7[%swap3A_153, %swap3A_154] {strides = array<i32>} : memref<128x128xf32, #tpu.memory_space<vmem>>, vector<1x16xf32>,
      %swap3A_156 = vector.shape_cast %swap3A_155 : vector<1x16xf32> to vector<16xf32>
      %swap3A_157 = vector.shape_cast %parallel_loop3A_138#3 : vector<16xf32> to vector<1x16xf32>
      tpu.vector_store %arg7[%swap3A_153, %swap3A_154], %swap3A_157 {strides = array<i32>} : memref<128x128xf32, #tpu.memory_space<vmem>>, vector<1x16xf32>,
      %swap3A_158 = arith.index_cast %add3A_109 : i32 to index
      %swap3A_159 = arith.constant 64 : index
      %swap3A_160 = tpu.vector_load %arg7[%swap3A_158, %swap3A_159] {strides = array<i32>} : memref<128x128xf32, #tpu.memory_space<vmem>>, vector<1x16xf32>,
      %swap3A_161 = vector.shape_cast %swap3A_160 : vector<1x16xf32> to vector<16xf32>
      %swap3A_162 = vector.shape_cast %parallel_loop3A_138#4 : vector<16xf32> to vector<1x16xf32>
      tpu.vector_store %arg7[%swap3A_158, %swap3A_159], %swap3A_162 {strides = array<i32>} : memref<128x128xf32, #tpu.memory_space<vmem>>, vector<1x16xf32>,
      %swap3A_163 = arith.index_cast %add3A_109 : i32 to index
      %swap3A_164 = arith.constant 80 : index
      %swap3A_165 = tpu.vector_load %arg7[%swap3A_163, %swap3A_164] {strides = array<i32>} : memref<128x128xf32, #tpu.memory_space<vmem>>, vector<1x16xf32>,
      %swap3A_166 = vector.shape_cast %swap3A_165 : vector<1x16xf32> to vector<16xf32>
      %swap3A_167 = vector.shape_cast %parallel_loop3A_138#5 : vector<16xf32> to vector<1x16xf32>
      tpu.vector_store %arg7[%swap3A_163, %swap3A_164], %swap3A_167 {strides = array<i32>} : memref<128x128xf32, #tpu.memory_space<vmem>>, vector<1x16xf32>,
      %swap3A_168 = arith.index_cast %add3A_109 : i32 to index
      %swap3A_169 = arith.constant 96 : index
      %swap3A_170 = tpu.vector_load %arg7[%swap3A_168, %swap3A_169] {strides = array<i32>} : memref<128x128xf32, #tpu.memory_space<vmem>>, vector<1x16xf32>,
      %swap3A_171 = vector.shape_cast %swap3A_170 : vector<1x16xf32> to vector<16xf32>
      %swap3A_172 = vector.shape_cast %parallel_loop3A_138#6 : vector<16xf32> to vector<1x16xf32>
      tpu.vector_store %arg7[%swap3A_168, %swap3A_169], %swap3A_172 {strides = array<i32>} : memref<128x128xf32, #tpu.memory_space<vmem>>, vector<1x16xf32>,
      %swap3A_173 = arith.index_cast %add3A_109 : i32 to index
      %swap3A_174 = arith.constant 112 : index
      %swap3A_175 = tpu.vector_load %arg7[%swap3A_173, %swap3A_174] {strides = array<i32>} : memref<128x128xf32, #tpu.memory_space<vmem>>, vector<1x16xf32>,
      %swap3A_176 = vector.shape_cast %swap3A_175 : vector<1x16xf32> to vector<16xf32>
      %swap3A_177 = vector.shape_cast %parallel_loop3A_138#7 : vector<16xf32> to vector<1x16xf32>
      tpu.vector_store %arg7[%swap3A_173, %swap3A_174], %swap3A_177 {strides = array<i32>} : memref<128x128xf32, #tpu.memory_space<vmem>>, vector<1x16xf32>,
      %add3A_178 = arith.constant 8 : i32
      %add3A_179 = arith.addi %add3A_109, %add3A_178 : i32
      %lt3A = arith.constant 128 : i32
      %lt3A_180 = arith.cmpi slt, %add3A_179, %lt3A : i32
      %convert_element_type3A = arith.extui %lt3A_180 : i1 to i32
      %cond3A = arith.constant 0 : i32
      %cond3A_181 = arith.cmpi ne, %convert_element_type3A, %cond3A : i32
      scf.if %cond3A_181 {
        %add3A_764 = arith.constant 8 : i32
        %add3A_765 = arith.addi %add3A_109, %add3A_764 : i32
        %dma_start3A_766 = arith.constant 0 : i32
        %dma_start3A_767 = arith.constant 0 : i32
        %dma_start3A_768 = arith.constant 0 : i32
        %dma_start3A_769 = tpu.memref_slice %arg6[%dma_start3A_766, %dma_start3A_767, %dma_start3A_768] : memref<8x50x128xf32, #tpu.memory_space<vmem>> -> memref<1x50x128xf32, #tpu.memory_space<vmem>>
        %dma_start3A_770 = tpu.memref_squeeze %dma_start3A_769 : memref<1x50x128xf32, #tpu.memory_space<vmem>> -> memref<50x128xf32, #tpu.memory_space<vmem>>
        %dma_start3A_771 = arith.constant 0 : i32
        %dma_start3A_772 = tpu.memref_slice %arg5[%add3A_765, %dma_start3A_771] : memref<128x50xi32, #tpu.memory_space<vmem>> -> memref<1x50xi32, #tpu.memory_space<vmem>>
        %dma_start3A_773 = tpu.memref_squeeze %dma_start3A_772 : memref<1x50xi32, #tpu.memory_space<vmem>> -> memref<50xi32, #tpu.memory_space<vmem>>
        %dma_start3A_774 = arith.constant 0 : i32
        %dma_start3A_775 = arith.constant 0 : i32
        %dma_start3A_776 = tpu.memref_slice %arg3[%dma_start3A_774, %dma_start3A_775] : memref<100000x128xf32, #tpu.memory_space<hbm>> -> memref<100000x128xf32, #tpu.memory_space<hbm>>
        tpu.enqueue_indirect_dma source(%dma_start3A_776 : memref<100000x128xf32, #tpu.memory_space<hbm>>) target(%dma_start3A_770 : memref<50x128xf32, #tpu.memory_space<vmem>>) offsets(%dma_start3A_773 : memref<50xi32, #tpu.memory_space<vmem>>) semaphore(%arg8 : memref<!tpu.dma_semaphore, #tpu.memory_space<semaphore_mem>>)
      } else {
      }
      %mul3A_182 = arith.constant 8 : i32
      %mul3A_183 = arith.muli %scan3A_104, %mul3A_182 : i32
      %add3A_184 = arith.constant 1 : i32
      %add3A_185 = arith.addi %mul3A_183, %add3A_184 : i32
      %dma_wait3A_186 = arith.constant 0 : i32
      %dma_wait3A_187 = arith.constant 1 : i32
      %dma_wait3A_188 = arith.constant 0 : i32
      %dma_wait3A_189 = arith.constant 0 : i32
      %dma_wait3A_190 = tpu.memref_slice %arg6[%dma_wait3A_187, %dma_wait3A_188, %dma_wait3A_189] : memref<8x50x128xf32, #tpu.memory_space<vmem>> -> memref<1x50x128xf32, #tpu.memory_space<vmem>>
      %dma_wait3A_191 = tpu.memref_squeeze %dma_wait3A_190 : memref<1x50x128xf32, #tpu.memory_space<vmem>> -> memref<50x128xf32, #tpu.memory_space<vmem>>
      %dma_wait3A_192 = arith.constant 0 : i32
      %dma_wait3A_193 = tpu.memref_slice %arg5[%dma_wait3A_186, %dma_wait3A_192] : memref<128x50xi32, #tpu.memory_space<vmem>> -> memref<1x50xi32, #tpu.memory_space<vmem>>
      %dma_wait3A_194 = tpu.memref_squeeze %dma_wait3A_193 : memref<1x50xi32, #tpu.memory_space<vmem>> -> memref<50xi32, #tpu.memory_space<vmem>>
      %dma_wait3A_195 = arith.constant 0 : i32
      %dma_wait3A_196 = arith.constant 0 : i32
      %dma_wait3A_197 = tpu.memref_slice %arg3[%dma_wait3A_195, %dma_wait3A_196] : memref<100000x128xf32, #tpu.memory_space<hbm>> -> memref<100000x128xf32, #tpu.memory_space<hbm>>
      tpu.wait_indirect_dma semaphore(%arg9 : memref<!tpu.dma_semaphore, #tpu.memory_space<semaphore_mem>>) src(%dma_wait3A_197 : memref<100000x128xf32, #tpu.memory_space<hbm>>) dst(%dma_wait3A_191 : memref<50x128xf32, #tpu.memory_space<vmem>>)
      %broadcast_in_dim3A_198 = arith.constant 0.000000e+00 : f32
      %broadcast_in_dim3A_199 = vector.broadcast %broadcast_in_dim3A_198 : f32 to vector<16xf32>
      %broadcast_in_dim3A_200 = arith.constant 0.000000e+00 : f32
      %broadcast_in_dim3A_201 = vector.broadcast %broadcast_in_dim3A_200 : f32 to vector<16xf32>
      %broadcast_in_dim3A_202 = arith.constant 0.000000e+00 : f32
      %broadcast_in_dim3A_203 = vector.broadcast %broadcast_in_dim3A_202 : f32 to vector<16xf32>
      %broadcast_in_dim3A_204 = arith.constant 0.000000e+00 : f32
      %broadcast_in_dim3A_205 = vector.broadcast %broadcast_in_dim3A_204 : f32 to vector<16xf32>
      %broadcast_in_dim3A_206 = arith.constant 0.000000e+00 : f32
      %broadcast_in_dim3A_207 = vector.broadcast %broadcast_in_dim3A_206 : f32 to vector<16xf32>
      %broadcast_in_dim3A_208 = arith.constant 0.000000e+00 : f32
      %broadcast_in_dim3A_209 = vector.broadcast %broadcast_in_dim3A_208 : f32 to vector<16xf32>
      %broadcast_in_dim3A_210 = arith.constant 0.000000e+00 : f32
      %broadcast_in_dim3A_211 = vector.broadcast %broadcast_in_dim3A_210 : f32 to vector<16xf32>
      %broadcast_in_dim3A_212 = arith.constant 0.000000e+00 : f32
      %broadcast_in_dim3A_213 = vector.broadcast %broadcast_in_dim3A_212 : f32 to vector<16xf32>
      %parallel_loop3A_214 = arith.constant 0 : i32
      %parallel_loop3A_215 = arith.constant 50 : i32
      %parallel_loop3A_216 = arith.constant 1 : i32
      %parallel_loop3A_217:8 = scf.for %parallel_loop3A_764 = %parallel_loop3A_214 to %parallel_loop3A_215 step %parallel_loop3A_216 iter_args(%parallel_loop3A_765 = %broadcast_in_dim3A_199, %parallel_loop3A_766 = %broadcast_in_dim3A_201, %parallel_loop3A_767 = %broadcast_in_dim3A_203, %parallel_loop3A_768 = %broadcast_in_dim3A_205, %parallel_loop3A_769 = %broadcast_in_dim3A_207, %parallel_loop3A_770 = %broadcast_in_dim3A_209, %parallel_loop3A_771 = %broadcast_in_dim3A_211, %parallel_loop3A_772 = %broadcast_in_dim3A_213) -> (vector<16xf32>, vector<16xf32>, vector<16xf32>, vector<16xf32>, vector<16xf32>, vector<16xf32>, vector<16xf32>, vector<16xf32>)  : i32 {
        %parallel_loop3A_773 = arith.constant 1 : i32
        %parallel_loop3A_774 = arith.index_cast %parallel_loop3A_773 : i32 to index
        %parallel_loop3A_775 = arith.index_cast %parallel_loop3A_764 : i32 to index
        %parallel_loop3A_776 = arith.constant 0 : index
        %parallel_loop3A_777 = tpu.vector_load %arg6[%parallel_loop3A_774, %parallel_loop3A_775, %parallel_loop3A_776] {strides = array<i32>} : memref<8x50x128xf32, #tpu.memory_space<vmem>>, vector<1x1x16xf32>,
        %parallel_loop3A_778 = vector.shape_cast %parallel_loop3A_777 : vector<1x1x16xf32> to vector<16xf32>
        %parallel_loop3A_779 = arith.addf %parallel_loop3A_765, %parallel_loop3A_778 : vector<16xf32>
        %parallel_loop3A_780 = arith.constant 1 : i32
        %parallel_loop3A_781 = arith.index_cast %parallel_loop3A_780 : i32 to index
        %parallel_loop3A_782 = arith.index_cast %parallel_loop3A_764 : i32 to index
        %parallel_loop3A_783 = arith.constant 16 : index
        %parallel_loop3A_784 = tpu.vector_load %arg6[%parallel_loop3A_781, %parallel_loop3A_782, %parallel_loop3A_783] {strides = array<i32>} : memref<8x50x128xf32, #tpu.memory_space<vmem>>, vector<1x1x16xf32>,
        %parallel_loop3A_785 = vector.shape_cast %parallel_loop3A_784 : vector<1x1x16xf32> to vector<16xf32>
        %parallel_loop3A_786 = arith.addf %parallel_loop3A_766, %parallel_loop3A_785 : vector<16xf32>
        %parallel_loop3A_787 = arith.constant 1 : i32
        %parallel_loop3A_788 = arith.index_cast %parallel_loop3A_787 : i32 to index
        %parallel_loop3A_789 = arith.index_cast %parallel_loop3A_764 : i32 to index
        %parallel_loop3A_790 = arith.constant 32 : index
        %parallel_loop3A_791 = tpu.vector_load %arg6[%parallel_loop3A_788, %parallel_loop3A_789, %parallel_loop3A_790] {strides = array<i32>} : memref<8x50x128xf32, #tpu.memory_space<vmem>>, vector<1x1x16xf32>,
        %parallel_loop3A_792 = vector.shape_cast %parallel_loop3A_791 : vector<1x1x16xf32> to vector<16xf32>
        %parallel_loop3A_793 = arith.addf %parallel_loop3A_767, %parallel_loop3A_792 : vector<16xf32>
        %parallel_loop3A_794 = arith.constant 1 : i32
        %parallel_loop3A_795 = arith.index_cast %parallel_loop3A_794 : i32 to index
        %parallel_loop3A_796 = arith.index_cast %parallel_loop3A_764 : i32 to index
        %parallel_loop3A_797 = arith.constant 48 : index
        %parallel_loop3A_798 = tpu.vector_load %arg6[%parallel_loop3A_795, %parallel_loop3A_796, %parallel_loop3A_797] {strides = array<i32>} : memref<8x50x128xf32, #tpu.memory_space<vmem>>, vector<1x1x16xf32>,
        %parallel_loop3A_799 = vector.shape_cast %parallel_loop3A_798 : vector<1x1x16xf32> to vector<16xf32>
        %parallel_loop3A_800 = arith.addf %parallel_loop3A_768, %parallel_loop3A_799 : vector<16xf32>
        %parallel_loop3A_801 = arith.constant 1 : i32
        %parallel_loop3A_802 = arith.index_cast %parallel_loop3A_801 : i32 to index
        %parallel_loop3A_803 = arith.index_cast %parallel_loop3A_764 : i32 to index
        %parallel_loop3A_804 = arith.constant 64 : index
        %parallel_loop3A_805 = tpu.vector_load %arg6[%parallel_loop3A_802, %parallel_loop3A_803, %parallel_loop3A_804] {strides = array<i32>} : memref<8x50x128xf32, #tpu.memory_space<vmem>>, vector<1x1x16xf32>,
        %parallel_loop3A_806 = vector.shape_cast %parallel_loop3A_805 : vector<1x1x16xf32> to vector<16xf32>
        %parallel_loop3A_807 = arith.addf %parallel_loop3A_769, %parallel_loop3A_806 : vector<16xf32>
        %parallel_loop3A_808 = arith.constant 1 : i32
        %parallel_loop3A_809 = arith.index_cast %parallel_loop3A_808 : i32 to index
        %parallel_loop3A_810 = arith.index_cast %parallel_loop3A_764 : i32 to index
        %parallel_loop3A_811 = arith.constant 80 : index
        %parallel_loop3A_812 = tpu.vector_load %arg6[%parallel_loop3A_809, %parallel_loop3A_810, %parallel_loop3A_811] {strides = array<i32>} : memref<8x50x128xf32, #tpu.memory_space<vmem>>, vector<1x1x16xf32>,
        %parallel_loop3A_813 = vector.shape_cast %parallel_loop3A_812 : vector<1x1x16xf32> to vector<16xf32>
        %parallel_loop3A_814 = arith.addf %parallel_loop3A_770, %parallel_loop3A_813 : vector<16xf32>
        %parallel_loop3A_815 = arith.constant 1 : i32
        %parallel_loop3A_816 = arith.index_cast %parallel_loop3A_815 : i32 to index
        %parallel_loop3A_817 = arith.index_cast %parallel_loop3A_764 : i32 to index
        %parallel_loop3A_818 = arith.constant 96 : index
        %parallel_loop3A_819 = tpu.vector_load %arg6[%parallel_loop3A_816, %parallel_loop3A_817, %parallel_loop3A_818] {strides = array<i32>} : memref<8x50x128xf32, #tpu.memory_space<vmem>>, vector<1x1x16xf32>,
        %parallel_loop3A_820 = vector.shape_cast %parallel_loop3A_819 : vector<1x1x16xf32> to vector<16xf32>
        %parallel_loop3A_821 = arith.addf %parallel_loop3A_771, %parallel_loop3A_820 : vector<16xf32>
        %parallel_loop3A_822 = arith.constant 1 : i32
        %parallel_loop3A_823 = arith.index_cast %parallel_loop3A_822 : i32 to index
        %parallel_loop3A_824 = arith.index_cast %parallel_loop3A_764 : i32 to index
        %parallel_loop3A_825 = arith.constant 112 : index
        %parallel_loop3A_826 = tpu.vector_load %arg6[%parallel_loop3A_823, %parallel_loop3A_824, %parallel_loop3A_825] {strides = array<i32>} : memref<8x50x128xf32, #tpu.memory_space<vmem>>, vector<1x1x16xf32>,
        %parallel_loop3A_827 = vector.shape_cast %parallel_loop3A_826 : vector<1x1x16xf32> to vector<16xf32>
        %parallel_loop3A_828 = arith.addf %parallel_loop3A_772, %parallel_loop3A_827 : vector<16xf32>
        scf.yield %parallel_loop3A_779, %parallel_loop3A_786, %parallel_loop3A_793, %parallel_loop3A_800, %parallel_loop3A_807, %parallel_loop3A_814, %parallel_loop3A_821, %parallel_loop3A_828 : vector<16xf32>, vector<16xf32>, vector<16xf32>, vector<16xf32>, vector<16xf32>, vector<16xf32>, vector<16xf32>, vector<16xf32>
      } {sc.loop_unroll_factor = 5 : i64, sc.parallel_access}
      %swap3A_218 = arith.index_cast %add3A_185 : i32 to index
      %swap3A_219 = arith.constant 0 : index
      %swap3A_220 = tpu.vector_load %arg7[%swap3A_218, %swap3A_219] {strides = array<i32>} : memref<128x128xf32, #tpu.memory_space<vmem>>, vector<1x16xf32>,
      %swap3A_221 = vector.shape_cast %swap3A_220 : vector<1x16xf32> to vector<16xf32>
      %swap3A_222 = vector.shape_cast %parallel_loop3A_217#0 : vector<16xf32> to vector<1x16xf32>
      tpu.vector_store %arg7[%swap3A_218, %swap3A_219], %swap3A_222 {strides = array<i32>} : memref<128x128xf32, #tpu.memory_space<vmem>>, vector<1x16xf32>,
      %swap3A_223 = arith.index_cast %add3A_185 : i32 to index
      %swap3A_224 = arith.constant 16 : index
      %swap3A_225 = tpu.vector_load %arg7[%swap3A_223, %swap3A_224] {strides = array<i32>} : memref<128x128xf32, #tpu.memory_space<vmem>>, vector<1x16xf32>,
      %swap3A_226 = vector.shape_cast %swap3A_225 : vector<1x16xf32> to vector<16xf32>
      %swap3A_227 = vector.shape_cast %parallel_loop3A_217#1 : vector<16xf32> to vector<1x16xf32>
      tpu.vector_store %arg7[%swap3A_223, %swap3A_224], %swap3A_227 {strides = array<i32>} : memref<128x128xf32, #tpu.memory_space<vmem>>, vector<1x16xf32>,
      %swap3A_228 = arith.index_cast %add3A_185 : i32 to index
      %swap3A_229 = arith.constant 32 : index
      %swap3A_230 = tpu.vector_load %arg7[%swap3A_228, %swap3A_229] {strides = array<i32>} : memref<128x128xf32, #tpu.memory_space<vmem>>, vector<1x16xf32>,
      %swap3A_231 = vector.shape_cast %swap3A_230 : vector<1x16xf32> to vector<16xf32>
      %swap3A_232 = vector.shape_cast %parallel_loop3A_217#2 : vector<16xf32> to vector<1x16xf32>
      tpu.vector_store %arg7[%swap3A_228, %swap3A_229], %swap3A_232 {strides = array<i32>} : memref<128x128xf32, #tpu.memory_space<vmem>>, vector<1x16xf32>,
      %swap3A_233 = arith.index_cast %add3A_185 : i32 to index
      %swap3A_234 = arith.constant 48 : index
      %swap3A_235 = tpu.vector_load %arg7[%swap3A_233, %swap3A_234] {strides = array<i32>} : memref<128x128xf32, #tpu.memory_space<vmem>>, vector<1x16xf32>,
      %swap3A_236 = vector.shape_cast %swap3A_235 : vector<1x16xf32> to vector<16xf32>
      %swap3A_237 = vector.shape_cast %parallel_loop3A_217#3 : vector<16xf32> to vector<1x16xf32>
      tpu.vector_store %arg7[%swap3A_233, %swap3A_234], %swap3A_237 {strides = array<i32>} : memref<128x128xf32, #tpu.memory_space<vmem>>, vector<1x16xf32>,
      %swap3A_238 = arith.index_cast %add3A_185 : i32 to index
      %swap3A_239 = arith.constant 64 : index
      %swap3A_240 = tpu.vector_load %arg7[%swap3A_238, %swap3A_239] {strides = array<i32>} : memref<128x128xf32, #tpu.memory_space<vmem>>, vector<1x16xf32>,
      %swap3A_241 = vector.shape_cast %swap3A_240 : vector<1x16xf32> to vector<16xf32>
      %swap3A_242 = vector.shape_cast %parallel_loop3A_217#4 : vector<16xf32> to vector<1x16xf32>
      tpu.vector_store %arg7[%swap3A_238, %swap3A_239], %swap3A_242 {strides = array<i32>} : memref<128x128xf32, #tpu.memory_space<vmem>>, vector<1x16xf32>,
      %swap3A_243 = arith.index_cast %add3A_185 : i32 to index
      %swap3A_244 = arith.constant 80 : index
      %swap3A_245 = tpu.vector_load %arg7[%swap3A_243, %swap3A_244] {strides = array<i32>} : memref<128x128xf32, #tpu.memory_space<vmem>>, vector<1x16xf32>,
      %swap3A_246 = vector.shape_cast %swap3A_245 : vector<1x16xf32> to vector<16xf32>
      %swap3A_247 = vector.shape_cast %parallel_loop3A_217#5 : vector<16xf32> to vector<1x16xf32>
      tpu.vector_store %arg7[%swap3A_243, %swap3A_244], %swap3A_247 {strides = array<i32>} : memref<128x128xf32, #tpu.memory_space<vmem>>, vector<1x16xf32>,
      %swap3A_248 = arith.index_cast %add3A_185 : i32 to index
      %swap3A_249 = arith.constant 96 : index
      %swap3A_250 = tpu.vector_load %arg7[%swap3A_248, %swap3A_249] {strides = array<i32>} : memref<128x128xf32, #tpu.memory_space<vmem>>, vector<1x16xf32>,
      %swap3A_251 = vector.shape_cast %swap3A_250 : vector<1x16xf32> to vector<16xf32>
      %swap3A_252 = vector.shape_cast %parallel_loop3A_217#6 : vector<16xf32> to vector<1x16xf32>
      tpu.vector_store %arg7[%swap3A_248, %swap3A_249], %swap3A_252 {strides = array<i32>} : memref<128x128xf32, #tpu.memory_space<vmem>>, vector<1x16xf32>,
      %swap3A_253 = arith.index_cast %add3A_185 : i32 to index
      %swap3A_254 = arith.constant 112 : index
      %swap3A_255 = tpu.vector_load %arg7[%swap3A_253, %swap3A_254] {strides = array<i32>} : memref<128x128xf32, #tpu.memory_space<vmem>>, vector<1x16xf32>,
      %swap3A_256 = vector.shape_cast %swap3A_255 : vector<1x16xf32> to vector<16xf32>
      %swap3A_257 = vector.shape_cast %parallel_loop3A_217#7 : vector<16xf32> to vector<1x16xf32>
      tpu.vector_store %arg7[%swap3A_253, %swap3A_254], %swap3A_257 {strides = array<i32>} : memref<128x128xf32, #tpu.memory_space<vmem>>, vector<1x16xf32>,
      %add3A_258 = arith.constant 8 : i32
      %add3A_259 = arith.addi %add3A_185, %add3A_258 : i32
      %lt3A_260 = arith.constant 128 : i32
      %lt3A_261 = arith.cmpi slt, %add3A_259, %lt3A_260 : i32
      %convert_element_type3A_262 = arith.extui %lt3A_261 : i1 to i32
      %cond3A_263 = arith.constant 0 : i32
      %cond3A_264 = arith.cmpi ne, %convert_element_type3A_262, %cond3A_263 : i32
      scf.if %cond3A_264 {
        %add3A_764 = arith.constant 8 : i32
        %add3A_765 = arith.addi %add3A_185, %add3A_764 : i32
        %dma_start3A_766 = arith.constant 1 : i32
        %dma_start3A_767 = arith.constant 0 : i32
        %dma_start3A_768 = arith.constant 0 : i32
        %dma_start3A_769 = tpu.memref_slice %arg6[%dma_start3A_766, %dma_start3A_767, %dma_start3A_768] : memref<8x50x128xf32, #tpu.memory_space<vmem>> -> memref<1x50x128xf32, #tpu.memory_space<vmem>>
        %dma_start3A_770 = tpu.memref_squeeze %dma_start3A_769 : memref<1x50x128xf32, #tpu.memory_space<vmem>> -> memref<50x128xf32, #tpu.memory_space<vmem>>
        %dma_start3A_771 = arith.constant 0 : i32
        %dma_start3A_772 = tpu.memref_slice %arg5[%add3A_765, %dma_start3A_771] : memref<128x50xi32, #tpu.memory_space<vmem>> -> memref<1x50xi32, #tpu.memory_space<vmem>>
        %dma_start3A_773 = tpu.memref_squeeze %dma_start3A_772 : memref<1x50xi32, #tpu.memory_space<vmem>> -> memref<50xi32, #tpu.memory_space<vmem>>
        %dma_start3A_774 = arith.constant 0 : i32
        %dma_start3A_775 = arith.constant 0 : i32
        %dma_start3A_776 = tpu.memref_slice %arg3[%dma_start3A_774, %dma_start3A_775] : memref<100000x128xf32, #tpu.memory_space<hbm>> -> memref<100000x128xf32, #tpu.memory_space<hbm>>
        tpu.enqueue_indirect_dma source(%dma_start3A_776 : memref<100000x128xf32, #tpu.memory_space<hbm>>) target(%dma_start3A_770 : memref<50x128xf32, #tpu.memory_space<vmem>>) offsets(%dma_start3A_773 : memref<50xi32, #tpu.memory_space<vmem>>) semaphore(%arg9 : memref<!tpu.dma_semaphore, #tpu.memory_space<semaphore_mem>>)
      } else {
      }
      %mul3A_265 = arith.constant 8 : i32
      %mul3A_266 = arith.muli %scan3A_104, %mul3A_265 : i32
      %add3A_267 = arith.constant 2 : i32
      %add3A_268 = arith.addi %mul3A_266, %add3A_267 : i32
      %dma_wait3A_269 = arith.constant 0 : i32
      %dma_wait3A_270 = arith.constant 2 : i32
      %dma_wait3A_271 = arith.constant 0 : i32
      %dma_wait3A_272 = arith.constant 0 : i32
      %dma_wait3A_273 = tpu.memref_slice %arg6[%dma_wait3A_270, %dma_wait3A_271, %dma_wait3A_272] : memref<8x50x128xf32, #tpu.memory_space<vmem>> -> memref<1x50x128xf32, #tpu.memory_space<vmem>>
      %dma_wait3A_274 = tpu.memref_squeeze %dma_wait3A_273 : memref<1x50x128xf32, #tpu.memory_space<vmem>> -> memref<50x128xf32, #tpu.memory_space<vmem>>
      %dma_wait3A_275 = arith.constant 0 : i32
      %dma_wait3A_276 = tpu.memref_slice %arg5[%dma_wait3A_269, %dma_wait3A_275] : memref<128x50xi32, #tpu.memory_space<vmem>> -> memref<1x50xi32, #tpu.memory_space<vmem>>
      %dma_wait3A_277 = tpu.memref_squeeze %dma_wait3A_276 : memref<1x50xi32, #tpu.memory_space<vmem>> -> memref<50xi32, #tpu.memory_space<vmem>>
      %dma_wait3A_278 = arith.constant 0 : i32
      %dma_wait3A_279 = arith.constant 0 : i32
      %dma_wait3A_280 = tpu.memref_slice %arg3[%dma_wait3A_278, %dma_wait3A_279] : memref<100000x128xf32, #tpu.memory_space<hbm>> -> memref<100000x128xf32, #tpu.memory_space<hbm>>
      tpu.wait_indirect_dma semaphore(%arg10 : memref<!tpu.dma_semaphore, #tpu.memory_space<semaphore_mem>>) src(%dma_wait3A_280 : memref<100000x128xf32, #tpu.memory_space<hbm>>) dst(%dma_wait3A_274 : memref<50x128xf32, #tpu.memory_space<vmem>>)
      %broadcast_in_dim3A_281 = arith.constant 0.000000e+00 : f32
      %broadcast_in_dim3A_282 = vector.broadcast %broadcast_in_dim3A_281 : f32 to vector<16xf32>
      %broadcast_in_dim3A_283 = arith.constant 0.000000e+00 : f32
      %broadcast_in_dim3A_284 = vector.broadcast %broadcast_in_dim3A_283 : f32 to vector<16xf32>
      %broadcast_in_dim3A_285 = arith.constant 0.000000e+00 : f32
      %broadcast_in_dim3A_286 = vector.broadcast %broadcast_in_dim3A_285 : f32 to vector<16xf32>
      %broadcast_in_dim3A_287 = arith.constant 0.000000e+00 : f32
      %broadcast_in_dim3A_288 = vector.broadcast %broadcast_in_dim3A_287 : f32 to vector<16xf32>
      %broadcast_in_dim3A_289 = arith.constant 0.000000e+00 : f32
      %broadcast_in_dim3A_290 = vector.broadcast %broadcast_in_dim3A_289 : f32 to vector<16xf32>
      %broadcast_in_dim3A_291 = arith.constant 0.000000e+00 : f32
      %broadcast_in_dim3A_292 = vector.broadcast %broadcast_in_dim3A_291 : f32 to vector<16xf32>
      %broadcast_in_dim3A_293 = arith.constant 0.000000e+00 : f32
      %broadcast_in_dim3A_294 = vector.broadcast %broadcast_in_dim3A_293 : f32 to vector<16xf32>
      %broadcast_in_dim3A_295 = arith.constant 0.000000e+00 : f32
      %broadcast_in_dim3A_296 = vector.broadcast %broadcast_in_dim3A_295 : f32 to vector<16xf32>
      %parallel_loop3A_297 = arith.constant 0 : i32
      %parallel_loop3A_298 = arith.constant 50 : i32
      %parallel_loop3A_299 = arith.constant 1 : i32
      %parallel_loop3A_300:8 = scf.for %parallel_loop3A_764 = %parallel_loop3A_297 to %parallel_loop3A_298 step %parallel_loop3A_299 iter_args(%parallel_loop3A_765 = %broadcast_in_dim3A_282, %parallel_loop3A_766 = %broadcast_in_dim3A_284, %parallel_loop3A_767 = %broadcast_in_dim3A_286, %parallel_loop3A_768 = %broadcast_in_dim3A_288, %parallel_loop3A_769 = %broadcast_in_dim3A_290, %parallel_loop3A_770 = %broadcast_in_dim3A_292, %parallel_loop3A_771 = %broadcast_in_dim3A_294, %parallel_loop3A_772 = %broadcast_in_dim3A_296) -> (vector<16xf32>, vector<16xf32>, vector<16xf32>, vector<16xf32>, vector<16xf32>, vector<16xf32>, vector<16xf32>, vector<16xf32>)  : i32 {
        %parallel_loop3A_773 = arith.constant 2 : i32
        %parallel_loop3A_774 = arith.index_cast %parallel_loop3A_773 : i32 to index
        %parallel_loop3A_775 = arith.index_cast %parallel_loop3A_764 : i32 to index
        %parallel_loop3A_776 = arith.constant 0 : index
        %parallel_loop3A_777 = tpu.vector_load %arg6[%parallel_loop3A_774, %parallel_loop3A_775, %parallel_loop3A_776] {strides = array<i32>} : memref<8x50x128xf32, #tpu.memory_space<vmem>>, vector<1x1x16xf32>,
        %parallel_loop3A_778 = vector.shape_cast %parallel_loop3A_777 : vector<1x1x16xf32> to vector<16xf32>
        %parallel_loop3A_779 = arith.addf %parallel_loop3A_765, %parallel_loop3A_778 : vector<16xf32>
        %parallel_loop3A_780 = arith.constant 2 : i32
        %parallel_loop3A_781 = arith.index_cast %parallel_loop3A_780 : i32 to index
        %parallel_loop3A_782 = arith.index_cast %parallel_loop3A_764 : i32 to index
        %parallel_loop3A_783 = arith.constant 16 : index
        %parallel_loop3A_784 = tpu.vector_load %arg6[%parallel_loop3A_781, %parallel_loop3A_782, %parallel_loop3A_783] {strides = array<i32>} : memref<8x50x128xf32, #tpu.memory_space<vmem>>, vector<1x1x16xf32>,
        %parallel_loop3A_785 = vector.shape_cast %parallel_loop3A_784 : vector<1x1x16xf32> to vector<16xf32>
        %parallel_loop3A_786 = arith.addf %parallel_loop3A_766, %parallel_loop3A_785 : vector<16xf32>
        %parallel_loop3A_787 = arith.constant 2 : i32
        %parallel_loop3A_788 = arith.index_cast %parallel_loop3A_787 : i32 to index
        %parallel_loop3A_789 = arith.index_cast %parallel_loop3A_764 : i32 to index
        %parallel_loop3A_790 = arith.constant 32 : index
        %parallel_loop3A_791 = tpu.vector_load %arg6[%parallel_loop3A_788, %parallel_loop3A_789, %parallel_loop3A_790] {strides = array<i32>} : memref<8x50x128xf32, #tpu.memory_space<vmem>>, vector<1x1x16xf32>,
        %parallel_loop3A_792 = vector.shape_cast %parallel_loop3A_791 : vector<1x1x16xf32> to vector<16xf32>
        %parallel_loop3A_793 = arith.addf %parallel_loop3A_767, %parallel_loop3A_792 : vector<16xf32>
        %parallel_loop3A_794 = arith.constant 2 : i32
        %parallel_loop3A_795 = arith.index_cast %parallel_loop3A_794 : i32 to index
        %parallel_loop3A_796 = arith.index_cast %parallel_loop3A_764 : i32 to index
        %parallel_loop3A_797 = arith.constant 48 : index
        %parallel_loop3A_798 = tpu.vector_load %arg6[%parallel_loop3A_795, %parallel_loop3A_796, %parallel_loop3A_797] {strides = array<i32>} : memref<8x50x128xf32, #tpu.memory_space<vmem>>, vector<1x1x16xf32>,
        %parallel_loop3A_799 = vector.shape_cast %parallel_loop3A_798 : vector<1x1x16xf32> to vector<16xf32>
        %parallel_loop3A_800 = arith.addf %parallel_loop3A_768, %parallel_loop3A_799 : vector<16xf32>
        %parallel_loop3A_801 = arith.constant 2 : i32
        %parallel_loop3A_802 = arith.index_cast %parallel_loop3A_801 : i32 to index
        %parallel_loop3A_803 = arith.index_cast %parallel_loop3A_764 : i32 to index
        %parallel_loop3A_804 = arith.constant 64 : index
        %parallel_loop3A_805 = tpu.vector_load %arg6[%parallel_loop3A_802, %parallel_loop3A_803, %parallel_loop3A_804] {strides = array<i32>} : memref<8x50x128xf32, #tpu.memory_space<vmem>>, vector<1x1x16xf32>,
        %parallel_loop3A_806 = vector.shape_cast %parallel_loop3A_805 : vector<1x1x16xf32> to vector<16xf32>
        %parallel_loop3A_807 = arith.addf %parallel_loop3A_769, %parallel_loop3A_806 : vector<16xf32>
        %parallel_loop3A_808 = arith.constant 2 : i32
        %parallel_loop3A_809 = arith.index_cast %parallel_loop3A_808 : i32 to index
        %parallel_loop3A_810 = arith.index_cast %parallel_loop3A_764 : i32 to index
        %parallel_loop3A_811 = arith.constant 80 : index
        %parallel_loop3A_812 = tpu.vector_load %arg6[%parallel_loop3A_809, %parallel_loop3A_810, %parallel_loop3A_811] {strides = array<i32>} : memref<8x50x128xf32, #tpu.memory_space<vmem>>, vector<1x1x16xf32>,
        %parallel_loop3A_813 = vector.shape_cast %parallel_loop3A_812 : vector<1x1x16xf32> to vector<16xf32>
        %parallel_loop3A_814 = arith.addf %parallel_loop3A_770, %parallel_loop3A_813 : vector<16xf32>
        %parallel_loop3A_815 = arith.constant 2 : i32
        %parallel_loop3A_816 = arith.index_cast %parallel_loop3A_815 : i32 to index
        %parallel_loop3A_817 = arith.index_cast %parallel_loop3A_764 : i32 to index
        %parallel_loop3A_818 = arith.constant 96 : index
        %parallel_loop3A_819 = tpu.vector_load %arg6[%parallel_loop3A_816, %parallel_loop3A_817, %parallel_loop3A_818] {strides = array<i32>} : memref<8x50x128xf32, #tpu.memory_space<vmem>>, vector<1x1x16xf32>,
        %parallel_loop3A_820 = vector.shape_cast %parallel_loop3A_819 : vector<1x1x16xf32> to vector<16xf32>
        %parallel_loop3A_821 = arith.addf %parallel_loop3A_771, %parallel_loop3A_820 : vector<16xf32>
        %parallel_loop3A_822 = arith.constant 2 : i32
        %parallel_loop3A_823 = arith.index_cast %parallel_loop3A_822 : i32 to index
        %parallel_loop3A_824 = arith.index_cast %parallel_loop3A_764 : i32 to index
        %parallel_loop3A_825 = arith.constant 112 : index
        %parallel_loop3A_826 = tpu.vector_load %arg6[%parallel_loop3A_823, %parallel_loop3A_824, %parallel_loop3A_825] {strides = array<i32>} : memref<8x50x128xf32, #tpu.memory_space<vmem>>, vector<1x1x16xf32>,
        %parallel_loop3A_827 = vector.shape_cast %parallel_loop3A_826 : vector<1x1x16xf32> to vector<16xf32>
        %parallel_loop3A_828 = arith.addf %parallel_loop3A_772, %parallel_loop3A_827 : vector<16xf32>
        scf.yield %parallel_loop3A_779, %parallel_loop3A_786, %parallel_loop3A_793, %parallel_loop3A_800, %parallel_loop3A_807, %parallel_loop3A_814, %parallel_loop3A_821, %parallel_loop3A_828 : vector<16xf32>, vector<16xf32>, vector<16xf32>, vector<16xf32>, vector<16xf32>, vector<16xf32>, vector<16xf32>, vector<16xf32>
      } {sc.loop_unroll_factor = 5 : i64, sc.parallel_access}
      %swap3A_301 = arith.index_cast %add3A_268 : i32 to index
      %swap3A_302 = arith.constant 0 : index
      %swap3A_303 = tpu.vector_load %arg7[%swap3A_301, %swap3A_302] {strides = array<i32>} : memref<128x128xf32, #tpu.memory_space<vmem>>, vector<1x16xf32>,
      %swap3A_304 = vector.shape_cast %swap3A_303 : vector<1x16xf32> to vector<16xf32>
      %swap3A_305 = vector.shape_cast %parallel_loop3A_300#0 : vector<16xf32> to vector<1x16xf32>
      tpu.vector_store %arg7[%swap3A_301, %swap3A_302], %swap3A_305 {strides = array<i32>} : memref<128x128xf32, #tpu.memory_space<vmem>>, vector<1x16xf32>,
      %swap3A_306 = arith.index_cast %add3A_268 : i32 to index
      %swap3A_307 = arith.constant 16 : index
      %swap3A_308 = tpu.vector_load %arg7[%swap3A_306, %swap3A_307] {strides = array<i32>} : memref<128x128xf32, #tpu.memory_space<vmem>>, vector<1x16xf32>,
      %swap3A_309 = vector.shape_cast %swap3A_308 : vector<1x16xf32> to vector<16xf32>
      %swap3A_310 = vector.shape_cast %parallel_loop3A_300#1 : vector<16xf32> to vector<1x16xf32>
      tpu.vector_store %arg7[%swap3A_306, %swap3A_307], %swap3A_310 {strides = array<i32>} : memref<128x128xf32, #tpu.memory_space<vmem>>, vector<1x16xf32>,
      %swap3A_311 = arith.index_cast %add3A_268 : i32 to index
      %swap3A_312 = arith.constant 32 : index
      %swap3A_313 = tpu.vector_load %arg7[%swap3A_311, %swap3A_312] {strides = array<i32>} : memref<128x128xf32, #tpu.memory_space<vmem>>, vector<1x16xf32>,
      %swap3A_314 = vector.shape_cast %swap3A_313 : vector<1x16xf32> to vector<16xf32>
      %swap3A_315 = vector.shape_cast %parallel_loop3A_300#2 : vector<16xf32> to vector<1x16xf32>
      tpu.vector_store %arg7[%swap3A_311, %swap3A_312], %swap3A_315 {strides = array<i32>} : memref<128x128xf32, #tpu.memory_space<vmem>>, vector<1x16xf32>,
      %swap3A_316 = arith.index_cast %add3A_268 : i32 to index
      %swap3A_317 = arith.constant 48 : index
      %swap3A_318 = tpu.vector_load %arg7[%swap3A_316, %swap3A_317] {strides = array<i32>} : memref<128x128xf32, #tpu.memory_space<vmem>>, vector<1x16xf32>,
      %swap3A_319 = vector.shape_cast %swap3A_318 : vector<1x16xf32> to vector<16xf32>
      %swap3A_320 = vector.shape_cast %parallel_loop3A_300#3 : vector<16xf32> to vector<1x16xf32>
      tpu.vector_store %arg7[%swap3A_316, %swap3A_317], %swap3A_320 {strides = array<i32>} : memref<128x128xf32, #tpu.memory_space<vmem>>, vector<1x16xf32>,
      %swap3A_321 = arith.index_cast %add3A_268 : i32 to index
      %swap3A_322 = arith.constant 64 : index
      %swap3A_323 = tpu.vector_load %arg7[%swap3A_321, %swap3A_322] {strides = array<i32>} : memref<128x128xf32, #tpu.memory_space<vmem>>, vector<1x16xf32>,
      %swap3A_324 = vector.shape_cast %swap3A_323 : vector<1x16xf32> to vector<16xf32>
      %swap3A_325 = vector.shape_cast %parallel_loop3A_300#4 : vector<16xf32> to vector<1x16xf32>
      tpu.vector_store %arg7[%swap3A_321, %swap3A_322], %swap3A_325 {strides = array<i32>} : memref<128x128xf32, #tpu.memory_space<vmem>>, vector<1x16xf32>,
      %swap3A_326 = arith.index_cast %add3A_268 : i32 to index
      %swap3A_327 = arith.constant 80 : index
      %swap3A_328 = tpu.vector_load %arg7[%swap3A_326, %swap3A_327] {strides = array<i32>} : memref<128x128xf32, #tpu.memory_space<vmem>>, vector<1x16xf32>,
      %swap3A_329 = vector.shape_cast %swap3A_328 : vector<1x16xf32> to vector<16xf32>
      %swap3A_330 = vector.shape_cast %parallel_loop3A_300#5 : vector<16xf32> to vector<1x16xf32>
      tpu.vector_store %arg7[%swap3A_326, %swap3A_327], %swap3A_330 {strides = array<i32>} : memref<128x128xf32, #tpu.memory_space<vmem>>, vector<1x16xf32>,
      %swap3A_331 = arith.index_cast %add3A_268 : i32 to index
      %swap3A_332 = arith.constant 96 : index
      %swap3A_333 = tpu.vector_load %arg7[%swap3A_331, %swap3A_332] {strides = array<i32>} : memref<128x128xf32, #tpu.memory_space<vmem>>, vector<1x16xf32>,
      %swap3A_334 = vector.shape_cast %swap3A_333 : vector<1x16xf32> to vector<16xf32>
      %swap3A_335 = vector.shape_cast %parallel_loop3A_300#6 : vector<16xf32> to vector<1x16xf32>
      tpu.vector_store %arg7[%swap3A_331, %swap3A_332], %swap3A_335 {strides = array<i32>} : memref<128x128xf32, #tpu.memory_space<vmem>>, vector<1x16xf32>,
      %swap3A_336 = arith.index_cast %add3A_268 : i32 to index
      %swap3A_337 = arith.constant 112 : index
      %swap3A_338 = tpu.vector_load %arg7[%swap3A_336, %swap3A_337] {strides = array<i32>} : memref<128x128xf32, #tpu.memory_space<vmem>>, vector<1x16xf32>,
      %swap3A_339 = vector.shape_cast %swap3A_338 : vector<1x16xf32> to vector<16xf32>
      %swap3A_340 = vector.shape_cast %parallel_loop3A_300#7 : vector<16xf32> to vector<1x16xf32>
      tpu.vector_store %arg7[%swap3A_336, %swap3A_337], %swap3A_340 {strides = array<i32>} : memref<128x128xf32, #tpu.memory_space<vmem>>, vector<1x16xf32>,
      %add3A_341 = arith.constant 8 : i32
      %add3A_342 = arith.addi %add3A_268, %add3A_341 : i32
      %lt3A_343 = arith.constant 128 : i32
      %lt3A_344 = arith.cmpi slt, %add3A_342, %lt3A_343 : i32
      %convert_element_type3A_345 = arith.extui %lt3A_344 : i1 to i32
      %cond3A_346 = arith.constant 0 : i32
      %cond3A_347 = arith.cmpi ne, %convert_element_type3A_345, %cond3A_346 : i32
      scf.if %cond3A_347 {
        %add3A_764 = arith.constant 8 : i32
        %add3A_765 = arith.addi %add3A_268, %add3A_764 : i32
        %dma_start3A_766 = arith.constant 2 : i32
        %dma_start3A_767 = arith.constant 0 : i32
        %dma_start3A_768 = arith.constant 0 : i32
        %dma_start3A_769 = tpu.memref_slice %arg6[%dma_start3A_766, %dma_start3A_767, %dma_start3A_768] : memref<8x50x128xf32, #tpu.memory_space<vmem>> -> memref<1x50x128xf32, #tpu.memory_space<vmem>>
        %dma_start3A_770 = tpu.memref_squeeze %dma_start3A_769 : memref<1x50x128xf32, #tpu.memory_space<vmem>> -> memref<50x128xf32, #tpu.memory_space<vmem>>
        %dma_start3A_771 = arith.constant 0 : i32
        %dma_start3A_772 = tpu.memref_slice %arg5[%add3A_765, %dma_start3A_771] : memref<128x50xi32, #tpu.memory_space<vmem>> -> memref<1x50xi32, #tpu.memory_space<vmem>>
        %dma_start3A_773 = tpu.memref_squeeze %dma_start3A_772 : memref<1x50xi32, #tpu.memory_space<vmem>> -> memref<50xi32, #tpu.memory_space<vmem>>
        %dma_start3A_774 = arith.constant 0 : i32
        %dma_start3A_775 = arith.constant 0 : i32
        %dma_start3A_776 = tpu.memref_slice %arg3[%dma_start3A_774, %dma_start3A_775] : memref<100000x128xf32, #tpu.memory_space<hbm>> -> memref<100000x128xf32, #tpu.memory_space<hbm>>
        tpu.enqueue_indirect_dma source(%dma_start3A_776 : memref<100000x128xf32, #tpu.memory_space<hbm>>) target(%dma_start3A_770 : memref<50x128xf32, #tpu.memory_space<vmem>>) offsets(%dma_start3A_773 : memref<50xi32, #tpu.memory_space<vmem>>) semaphore(%arg10 : memref<!tpu.dma_semaphore, #tpu.memory_space<semaphore_mem>>)
      } else {
      }
      %mul3A_348 = arith.constant 8 : i32
      %mul3A_349 = arith.muli %scan3A_104, %mul3A_348 : i32
      %add3A_350 = arith.constant 3 : i32
      %add3A_351 = arith.addi %mul3A_349, %add3A_350 : i32
      %dma_wait3A_352 = arith.constant 0 : i32
      %dma_wait3A_353 = arith.constant 3 : i32
      %dma_wait3A_354 = arith.constant 0 : i32
      %dma_wait3A_355 = arith.constant 0 : i32
      %dma_wait3A_356 = tpu.memref_slice %arg6[%dma_wait3A_353, %dma_wait3A_354, %dma_wait3A_355] : memref<8x50x128xf32, #tpu.memory_space<vmem>> -> memref<1x50x128xf32, #tpu.memory_space<vmem>>
      %dma_wait3A_357 = tpu.memref_squeeze %dma_wait3A_356 : memref<1x50x128xf32, #tpu.memory_space<vmem>> -> memref<50x128xf32, #tpu.memory_space<vmem>>
      %dma_wait3A_358 = arith.constant 0 : i32
      %dma_wait3A_359 = tpu.memref_slice %arg5[%dma_wait3A_352, %dma_wait3A_358] : memref<128x50xi32, #tpu.memory_space<vmem>> -> memref<1x50xi32, #tpu.memory_space<vmem>>
      %dma_wait3A_360 = tpu.memref_squeeze %dma_wait3A_359 : memref<1x50xi32, #tpu.memory_space<vmem>> -> memref<50xi32, #tpu.memory_space<vmem>>
      %dma_wait3A_361 = arith.constant 0 : i32
      %dma_wait3A_362 = arith.constant 0 : i32
      %dma_wait3A_363 = tpu.memref_slice %arg3[%dma_wait3A_361, %dma_wait3A_362] : memref<100000x128xf32, #tpu.memory_space<hbm>> -> memref<100000x128xf32, #tpu.memory_space<hbm>>
      tpu.wait_indirect_dma semaphore(%arg11 : memref<!tpu.dma_semaphore, #tpu.memory_space<semaphore_mem>>) src(%dma_wait3A_363 : memref<100000x128xf32, #tpu.memory_space<hbm>>) dst(%dma_wait3A_357 : memref<50x128xf32, #tpu.memory_space<vmem>>)
      %broadcast_in_dim3A_364 = arith.constant 0.000000e+00 : f32
      %broadcast_in_dim3A_365 = vector.broadcast %broadcast_in_dim3A_364 : f32 to vector<16xf32>
      %broadcast_in_dim3A_366 = arith.constant 0.000000e+00 : f32
      %broadcast_in_dim3A_367 = vector.broadcast %broadcast_in_dim3A_366 : f32 to vector<16xf32>
      %broadcast_in_dim3A_368 = arith.constant 0.000000e+00 : f32
      %broadcast_in_dim3A_369 = vector.broadcast %broadcast_in_dim3A_368 : f32 to vector<16xf32>
      %broadcast_in_dim3A_370 = arith.constant 0.000000e+00 : f32
      %broadcast_in_dim3A_371 = vector.broadcast %broadcast_in_dim3A_370 : f32 to vector<16xf32>
      %broadcast_in_dim3A_372 = arith.constant 0.000000e+00 : f32
      %broadcast_in_dim3A_373 = vector.broadcast %broadcast_in_dim3A_372 : f32 to vector<16xf32>
      %broadcast_in_dim3A_374 = arith.constant 0.000000e+00 : f32
      %broadcast_in_dim3A_375 = vector.broadcast %broadcast_in_dim3A_374 : f32 to vector<16xf32>
      %broadcast_in_dim3A_376 = arith.constant 0.000000e+00 : f32
      %broadcast_in_dim3A_377 = vector.broadcast %broadcast_in_dim3A_376 : f32 to vector<16xf32>
      %broadcast_in_dim3A_378 = arith.constant 0.000000e+00 : f32
      %broadcast_in_dim3A_379 = vector.broadcast %broadcast_in_dim3A_378 : f32 to vector<16xf32>
      %parallel_loop3A_380 = arith.constant 0 : i32
      %parallel_loop3A_381 = arith.constant 50 : i32
      %parallel_loop3A_382 = arith.constant 1 : i32
      %parallel_loop3A_383:8 = scf.for %parallel_loop3A_764 = %parallel_loop3A_380 to %parallel_loop3A_381 step %parallel_loop3A_382 iter_args(%parallel_loop3A_765 = %broadcast_in_dim3A_365, %parallel_loop3A_766 = %broadcast_in_dim3A_367, %parallel_loop3A_767 = %broadcast_in_dim3A_369, %parallel_loop3A_768 = %broadcast_in_dim3A_371, %parallel_loop3A_769 = %broadcast_in_dim3A_373, %parallel_loop3A_770 = %broadcast_in_dim3A_375, %parallel_loop3A_771 = %broadcast_in_dim3A_377, %parallel_loop3A_772 = %broadcast_in_dim3A_379) -> (vector<16xf32>, vector<16xf32>, vector<16xf32>, vector<16xf32>, vector<16xf32>, vector<16xf32>, vector<16xf32>, vector<16xf32>)  : i32 {
        %parallel_loop3A_773 = arith.constant 3 : i32
        %parallel_loop3A_774 = arith.index_cast %parallel_loop3A_773 : i32 to index
        %parallel_loop3A_775 = arith.index_cast %parallel_loop3A_764 : i32 to index
        %parallel_loop3A_776 = arith.constant 0 : index
        %parallel_loop3A_777 = tpu.vector_load %arg6[%parallel_loop3A_774, %parallel_loop3A_775, %parallel_loop3A_776] {strides = array<i32>} : memref<8x50x128xf32, #tpu.memory_space<vmem>>, vector<1x1x16xf32>,
        %parallel_loop3A_778 = vector.shape_cast %parallel_loop3A_777 : vector<1x1x16xf32> to vector<16xf32>
        %parallel_loop3A_779 = arith.addf %parallel_loop3A_765, %parallel_loop3A_778 : vector<16xf32>
        %parallel_loop3A_780 = arith.constant 3 : i32
        %parallel_loop3A_781 = arith.index_cast %parallel_loop3A_780 : i32 to index
        %parallel_loop3A_782 = arith.index_cast %parallel_loop3A_764 : i32 to index
        %parallel_loop3A_783 = arith.constant 16 : index
        %parallel_loop3A_784 = tpu.vector_load %arg6[%parallel_loop3A_781, %parallel_loop3A_782, %parallel_loop3A_783] {strides = array<i32>} : memref<8x50x128xf32, #tpu.memory_space<vmem>>, vector<1x1x16xf32>,
        %parallel_loop3A_785 = vector.shape_cast %parallel_loop3A_784 : vector<1x1x16xf32> to vector<16xf32>
        %parallel_loop3A_786 = arith.addf %parallel_loop3A_766, %parallel_loop3A_785 : vector<16xf32>
        %parallel_loop3A_787 = arith.constant 3 : i32
        %parallel_loop3A_788 = arith.index_cast %parallel_loop3A_787 : i32 to index
        %parallel_loop3A_789 = arith.index_cast %parallel_loop3A_764 : i32 to index
        %parallel_loop3A_790 = arith.constant 32 : index
        %parallel_loop3A_791 = tpu.vector_load %arg6[%parallel_loop3A_788, %parallel_loop3A_789, %parallel_loop3A_790] {strides = array<i32>} : memref<8x50x128xf32, #tpu.memory_space<vmem>>, vector<1x1x16xf32>,
        %parallel_loop3A_792 = vector.shape_cast %parallel_loop3A_791 : vector<1x1x16xf32> to vector<16xf32>
        %parallel_loop3A_793 = arith.addf %parallel_loop3A_767, %parallel_loop3A_792 : vector<16xf32>
        %parallel_loop3A_794 = arith.constant 3 : i32
        %parallel_loop3A_795 = arith.index_cast %parallel_loop3A_794 : i32 to index
        %parallel_loop3A_796 = arith.index_cast %parallel_loop3A_764 : i32 to index
        %parallel_loop3A_797 = arith.constant 48 : index
        %parallel_loop3A_798 = tpu.vector_load %arg6[%parallel_loop3A_795, %parallel_loop3A_796, %parallel_loop3A_797] {strides = array<i32>} : memref<8x50x128xf32, #tpu.memory_space<vmem>>, vector<1x1x16xf32>,
        %parallel_loop3A_799 = vector.shape_cast %parallel_loop3A_798 : vector<1x1x16xf32> to vector<16xf32>
        %parallel_loop3A_800 = arith.addf %parallel_loop3A_768, %parallel_loop3A_799 : vector<16xf32>
        %parallel_loop3A_801 = arith.constant 3 : i32
        %parallel_loop3A_802 = arith.index_cast %parallel_loop3A_801 : i32 to index
        %parallel_loop3A_803 = arith.index_cast %parallel_loop3A_764 : i32 to index
        %parallel_loop3A_804 = arith.constant 64 : index
        %parallel_loop3A_805 = tpu.vector_load %arg6[%parallel_loop3A_802, %parallel_loop3A_803, %parallel_loop3A_804] {strides = array<i32>} : memref<8x50x128xf32, #tpu.memory_space<vmem>>, vector<1x1x16xf32>,
        %parallel_loop3A_806 = vector.shape_cast %parallel_loop3A_805 : vector<1x1x16xf32> to vector<16xf32>
        %parallel_loop3A_807 = arith.addf %parallel_loop3A_769, %parallel_loop3A_806 : vector<16xf32>
        %parallel_loop3A_808 = arith.constant 3 : i32
        %parallel_loop3A_809 = arith.index_cast %parallel_loop3A_808 : i32 to index
        %parallel_loop3A_810 = arith.index_cast %parallel_loop3A_764 : i32 to index
        %parallel_loop3A_811 = arith.constant 80 : index
        %parallel_loop3A_812 = tpu.vector_load %arg6[%parallel_loop3A_809, %parallel_loop3A_810, %parallel_loop3A_811] {strides = array<i32>} : memref<8x50x128xf32, #tpu.memory_space<vmem>>, vector<1x1x16xf32>,
        %parallel_loop3A_813 = vector.shape_cast %parallel_loop3A_812 : vector<1x1x16xf32> to vector<16xf32>
        %parallel_loop3A_814 = arith.addf %parallel_loop3A_770, %parallel_loop3A_813 : vector<16xf32>
        %parallel_loop3A_815 = arith.constant 3 : i32
        %parallel_loop3A_816 = arith.index_cast %parallel_loop3A_815 : i32 to index
        %parallel_loop3A_817 = arith.index_cast %parallel_loop3A_764 : i32 to index
        %parallel_loop3A_818 = arith.constant 96 : index
        %parallel_loop3A_819 = tpu.vector_load %arg6[%parallel_loop3A_816, %parallel_loop3A_817, %parallel_loop3A_818] {strides = array<i32>} : memref<8x50x128xf32, #tpu.memory_space<vmem>>, vector<1x1x16xf32>,
        %parallel_loop3A_820 = vector.shape_cast %parallel_loop3A_819 : vector<1x1x16xf32> to vector<16xf32>
        %parallel_loop3A_821 = arith.addf %parallel_loop3A_771, %parallel_loop3A_820 : vector<16xf32>
        %parallel_loop3A_822 = arith.constant 3 : i32
        %parallel_loop3A_823 = arith.index_cast %parallel_loop3A_822 : i32 to index
        %parallel_loop3A_824 = arith.index_cast %parallel_loop3A_764 : i32 to index
        %parallel_loop3A_825 = arith.constant 112 : index
        %parallel_loop3A_826 = tpu.vector_load %arg6[%parallel_loop3A_823, %parallel_loop3A_824, %parallel_loop3A_825] {strides = array<i32>} : memref<8x50x128xf32, #tpu.memory_space<vmem>>, vector<1x1x16xf32>,
        %parallel_loop3A_827 = vector.shape_cast %parallel_loop3A_826 : vector<1x1x16xf32> to vector<16xf32>
        %parallel_loop3A_828 = arith.addf %parallel_loop3A_772, %parallel_loop3A_827 : vector<16xf32>
        scf.yield %parallel_loop3A_779, %parallel_loop3A_786, %parallel_loop3A_793, %parallel_loop3A_800, %parallel_loop3A_807, %parallel_loop3A_814, %parallel_loop3A_821, %parallel_loop3A_828 : vector<16xf32>, vector<16xf32>, vector<16xf32>, vector<16xf32>, vector<16xf32>, vector<16xf32>, vector<16xf32>, vector<16xf32>
      } {sc.loop_unroll_factor = 5 : i64, sc.parallel_access}
      %swap3A_384 = arith.index_cast %add3A_351 : i32 to index
      %swap3A_385 = arith.constant 0 : index
      %swap3A_386 = tpu.vector_load %arg7[%swap3A_384, %swap3A_385] {strides = array<i32>} : memref<128x128xf32, #tpu.memory_space<vmem>>, vector<1x16xf32>,
      %swap3A_387 = vector.shape_cast %swap3A_386 : vector<1x16xf32> to vector<16xf32>
      %swap3A_388 = vector.shape_cast %parallel_loop3A_383#0 : vector<16xf32> to vector<1x16xf32>
      tpu.vector_store %arg7[%swap3A_384, %swap3A_385], %swap3A_388 {strides = array<i32>} : memref<128x128xf32, #tpu.memory_space<vmem>>, vector<1x16xf32>,
      %swap3A_389 = arith.index_cast %add3A_351 : i32 to index
      %swap3A_390 = arith.constant 16 : index
      %swap3A_391 = tpu.vector_load %arg7[%swap3A_389, %swap3A_390] {strides = array<i32>} : memref<128x128xf32, #tpu.memory_space<vmem>>, vector<1x16xf32>,
      %swap3A_392 = vector.shape_cast %swap3A_391 : vector<1x16xf32> to vector<16xf32>
      %swap3A_393 = vector.shape_cast %parallel_loop3A_383#1 : vector<16xf32> to vector<1x16xf32>
      tpu.vector_store %arg7[%swap3A_389, %swap3A_390], %swap3A_393 {strides = array<i32>} : memref<128x128xf32, #tpu.memory_space<vmem>>, vector<1x16xf32>,
      %swap3A_394 = arith.index_cast %add3A_351 : i32 to index
      %swap3A_395 = arith.constant 32 : index
      %swap3A_396 = tpu.vector_load %arg7[%swap3A_394, %swap3A_395] {strides = array<i32>} : memref<128x128xf32, #tpu.memory_space<vmem>>, vector<1x16xf32>,
      %swap3A_397 = vector.shape_cast %swap3A_396 : vector<1x16xf32> to vector<16xf32>
      %swap3A_398 = vector.shape_cast %parallel_loop3A_383#2 : vector<16xf32> to vector<1x16xf32>
      tpu.vector_store %arg7[%swap3A_394, %swap3A_395], %swap3A_398 {strides = array<i32>} : memref<128x128xf32, #tpu.memory_space<vmem>>, vector<1x16xf32>,
      %swap3A_399 = arith.index_cast %add3A_351 : i32 to index
      %swap3A_400 = arith.constant 48 : index
      %swap3A_401 = tpu.vector_load %arg7[%swap3A_399, %swap3A_400] {strides = array<i32>} : memref<128x128xf32, #tpu.memory_space<vmem>>, vector<1x16xf32>,
      %swap3A_402 = vector.shape_cast %swap3A_401 : vector<1x16xf32> to vector<16xf32>
      %swap3A_403 = vector.shape_cast %parallel_loop3A_383#3 : vector<16xf32> to vector<1x16xf32>
      tpu.vector_store %arg7[%swap3A_399, %swap3A_400], %swap3A_403 {strides = array<i32>} : memref<128x128xf32, #tpu.memory_space<vmem>>, vector<1x16xf32>,
      %swap3A_404 = arith.index_cast %add3A_351 : i32 to index
      %swap3A_405 = arith.constant 64 : index
      %swap3A_406 = tpu.vector_load %arg7[%swap3A_404, %swap3A_405] {strides = array<i32>} : memref<128x128xf32, #tpu.memory_space<vmem>>, vector<1x16xf32>,
      %swap3A_407 = vector.shape_cast %swap3A_406 : vector<1x16xf32> to vector<16xf32>
      %swap3A_408 = vector.shape_cast %parallel_loop3A_383#4 : vector<16xf32> to vector<1x16xf32>
      tpu.vector_store %arg7[%swap3A_404, %swap3A_405], %swap3A_408 {strides = array<i32>} : memref<128x128xf32, #tpu.memory_space<vmem>>, vector<1x16xf32>,
      %swap3A_409 = arith.index_cast %add3A_351 : i32 to index
      %swap3A_410 = arith.constant 80 : index
      %swap3A_411 = tpu.vector_load %arg7[%swap3A_409, %swap3A_410] {strides = array<i32>} : memref<128x128xf32, #tpu.memory_space<vmem>>, vector<1x16xf32>,
      %swap3A_412 = vector.shape_cast %swap3A_411 : vector<1x16xf32> to vector<16xf32>
      %swap3A_413 = vector.shape_cast %parallel_loop3A_383#5 : vector<16xf32> to vector<1x16xf32>
      tpu.vector_store %arg7[%swap3A_409, %swap3A_410], %swap3A_413 {strides = array<i32>} : memref<128x128xf32, #tpu.memory_space<vmem>>, vector<1x16xf32>,
      %swap3A_414 = arith.index_cast %add3A_351 : i32 to index
      %swap3A_415 = arith.constant 96 : index
      %swap3A_416 = tpu.vector_load %arg7[%swap3A_414, %swap3A_415] {strides = array<i32>} : memref<128x128xf32, #tpu.memory_space<vmem>>, vector<1x16xf32>,
      %swap3A_417 = vector.shape_cast %swap3A_416 : vector<1x16xf32> to vector<16xf32>
      %swap3A_418 = vector.shape_cast %parallel_loop3A_383#6 : vector<16xf32> to vector<1x16xf32>
      tpu.vector_store %arg7[%swap3A_414, %swap3A_415], %swap3A_418 {strides = array<i32>} : memref<128x128xf32, #tpu.memory_space<vmem>>, vector<1x16xf32>,
      %swap3A_419 = arith.index_cast %add3A_351 : i32 to index
      %swap3A_420 = arith.constant 112 : index
      %swap3A_421 = tpu.vector_load %arg7[%swap3A_419, %swap3A_420] {strides = array<i32>} : memref<128x128xf32, #tpu.memory_space<vmem>>, vector<1x16xf32>,
      %swap3A_422 = vector.shape_cast %swap3A_421 : vector<1x16xf32> to vector<16xf32>
      %swap3A_423 = vector.shape_cast %parallel_loop3A_383#7 : vector<16xf32> to vector<1x16xf32>
      tpu.vector_store %arg7[%swap3A_419, %swap3A_420], %swap3A_423 {strides = array<i32>} : memref<128x128xf32, #tpu.memory_space<vmem>>, vector<1x16xf32>,
      %add3A_424 = arith.constant 8 : i32
      %add3A_425 = arith.addi %add3A_351, %add3A_424 : i32
      %lt3A_426 = arith.constant 128 : i32
      %lt3A_427 = arith.cmpi slt, %add3A_425, %lt3A_426 : i32
      %convert_element_type3A_428 = arith.extui %lt3A_427 : i1 to i32
      %cond3A_429 = arith.constant 0 : i32
      %cond3A_430 = arith.cmpi ne, %convert_element_type3A_428, %cond3A_429 : i32
      scf.if %cond3A_430 {
        %add3A_764 = arith.constant 8 : i32
        %add3A_765 = arith.addi %add3A_351, %add3A_764 : i32
        %dma_start3A_766 = arith.constant 3 : i32
        %dma_start3A_767 = arith.constant 0 : i32
        %dma_start3A_768 = arith.constant 0 : i32
        %dma_start3A_769 = tpu.memref_slice %arg6[%dma_start3A_766, %dma_start3A_767, %dma_start3A_768] : memref<8x50x128xf32, #tpu.memory_space<vmem>> -> memref<1x50x128xf32, #tpu.memory_space<vmem>>
        %dma_start3A_770 = tpu.memref_squeeze %dma_start3A_769 : memref<1x50x128xf32, #tpu.memory_space<vmem>> -> memref<50x128xf32, #tpu.memory_space<vmem>>
        %dma_start3A_771 = arith.constant 0 : i32
        %dma_start3A_772 = tpu.memref_slice %arg5[%add3A_765, %dma_start3A_771] : memref<128x50xi32, #tpu.memory_space<vmem>> -> memref<1x50xi32, #tpu.memory_space<vmem>>
        %dma_start3A_773 = tpu.memref_squeeze %dma_start3A_772 : memref<1x50xi32, #tpu.memory_space<vmem>> -> memref<50xi32, #tpu.memory_space<vmem>>
        %dma_start3A_774 = arith.constant 0 : i32
        %dma_start3A_775 = arith.constant 0 : i32
        %dma_start3A_776 = tpu.memref_slice %arg3[%dma_start3A_774, %dma_start3A_775] : memref<100000x128xf32, #tpu.memory_space<hbm>> -> memref<100000x128xf32, #tpu.memory_space<hbm>>
        tpu.enqueue_indirect_dma source(%dma_start3A_776 : memref<100000x128xf32, #tpu.memory_space<hbm>>) target(%dma_start3A_770 : memref<50x128xf32, #tpu.memory_space<vmem>>) offsets(%dma_start3A_773 : memref<50xi32, #tpu.memory_space<vmem>>) semaphore(%arg11 : memref<!tpu.dma_semaphore, #tpu.memory_space<semaphore_mem>>)
      } else {
      }
      %mul3A_431 = arith.constant 8 : i32
      %mul3A_432 = arith.muli %scan3A_104, %mul3A_431 : i32
      %add3A_433 = arith.constant 4 : i32
      %add3A_434 = arith.addi %mul3A_432, %add3A_433 : i32
      %dma_wait3A_435 = arith.constant 0 : i32
      %dma_wait3A_436 = arith.constant 4 : i32
      %dma_wait3A_437 = arith.constant 0 : i32
      %dma_wait3A_438 = arith.constant 0 : i32
      %dma_wait3A_439 = tpu.memref_slice %arg6[%dma_wait3A_436, %dma_wait3A_437, %dma_wait3A_438] : memref<8x50x128xf32, #tpu.memory_space<vmem>> -> memref<1x50x128xf32, #tpu.memory_space<vmem>>
      %dma_wait3A_440 = tpu.memref_squeeze %dma_wait3A_439 : memref<1x50x128xf32, #tpu.memory_space<vmem>> -> memref<50x128xf32, #tpu.memory_space<vmem>>
      %dma_wait3A_441 = arith.constant 0 : i32
      %dma_wait3A_442 = tpu.memref_slice %arg5[%dma_wait3A_435, %dma_wait3A_441] : memref<128x50xi32, #tpu.memory_space<vmem>> -> memref<1x50xi32, #tpu.memory_space<vmem>>
      %dma_wait3A_443 = tpu.memref_squeeze %dma_wait3A_442 : memref<1x50xi32, #tpu.memory_space<vmem>> -> memref<50xi32, #tpu.memory_space<vmem>>
      %dma_wait3A_444 = arith.constant 0 : i32
      %dma_wait3A_445 = arith.constant 0 : i32
      %dma_wait3A_446 = tpu.memref_slice %arg3[%dma_wait3A_444, %dma_wait3A_445] : memref<100000x128xf32, #tpu.memory_space<hbm>> -> memref<100000x128xf32, #tpu.memory_space<hbm>>
      tpu.wait_indirect_dma semaphore(%arg12 : memref<!tpu.dma_semaphore, #tpu.memory_space<semaphore_mem>>) src(%dma_wait3A_446 : memref<100000x128xf32, #tpu.memory_space<hbm>>) dst(%dma_wait3A_440 : memref<50x128xf32, #tpu.memory_space<vmem>>)
      %broadcast_in_dim3A_447 = arith.constant 0.000000e+00 : f32
      %broadcast_in_dim3A_448 = vector.broadcast %broadcast_in_dim3A_447 : f32 to vector<16xf32>
      %broadcast_in_dim3A_449 = arith.constant 0.000000e+00 : f32
      %broadcast_in_dim3A_450 = vector.broadcast %broadcast_in_dim3A_449 : f32 to vector<16xf32>
      %broadcast_in_dim3A_451 = arith.constant 0.000000e+00 : f32
      %broadcast_in_dim3A_452 = vector.broadcast %broadcast_in_dim3A_451 : f32 to vector<16xf32>
      %broadcast_in_dim3A_453 = arith.constant 0.000000e+00 : f32
      %broadcast_in_dim3A_454 = vector.broadcast %broadcast_in_dim3A_453 : f32 to vector<16xf32>
      %broadcast_in_dim3A_455 = arith.constant 0.000000e+00 : f32
      %broadcast_in_dim3A_456 = vector.broadcast %broadcast_in_dim3A_455 : f32 to vector<16xf32>
      %broadcast_in_dim3A_457 = arith.constant 0.000000e+00 : f32
      %broadcast_in_dim3A_458 = vector.broadcast %broadcast_in_dim3A_457 : f32 to vector<16xf32>
      %broadcast_in_dim3A_459 = arith.constant 0.000000e+00 : f32
      %broadcast_in_dim3A_460 = vector.broadcast %broadcast_in_dim3A_459 : f32 to vector<16xf32>
      %broadcast_in_dim3A_461 = arith.constant 0.000000e+00 : f32
      %broadcast_in_dim3A_462 = vector.broadcast %broadcast_in_dim3A_461 : f32 to vector<16xf32>
      %parallel_loop3A_463 = arith.constant 0 : i32
      %parallel_loop3A_464 = arith.constant 50 : i32
      %parallel_loop3A_465 = arith.constant 1 : i32
      %parallel_loop3A_466:8 = scf.for %parallel_loop3A_764 = %parallel_loop3A_463 to %parallel_loop3A_464 step %parallel_loop3A_465 iter_args(%parallel_loop3A_765 = %broadcast_in_dim3A_448, %parallel_loop3A_766 = %broadcast_in_dim3A_450, %parallel_loop3A_767 = %broadcast_in_dim3A_452, %parallel_loop3A_768 = %broadcast_in_dim3A_454, %parallel_loop3A_769 = %broadcast_in_dim3A_456, %parallel_loop3A_770 = %broadcast_in_dim3A_458, %parallel_loop3A_771 = %broadcast_in_dim3A_460, %parallel_loop3A_772 = %broadcast_in_dim3A_462) -> (vector<16xf32>, vector<16xf32>, vector<16xf32>, vector<16xf32>, vector<16xf32>, vector<16xf32>, vector<16xf32>, vector<16xf32>)  : i32 {
        %parallel_loop3A_773 = arith.constant 4 : i32
        %parallel_loop3A_774 = arith.index_cast %parallel_loop3A_773 : i32 to index
        %parallel_loop3A_775 = arith.index_cast %parallel_loop3A_764 : i32 to index
        %parallel_loop3A_776 = arith.constant 0 : index
        %parallel_loop3A_777 = tpu.vector_load %arg6[%parallel_loop3A_774, %parallel_loop3A_775, %parallel_loop3A_776] {strides = array<i32>} : memref<8x50x128xf32, #tpu.memory_space<vmem>>, vector<1x1x16xf32>,
        %parallel_loop3A_778 = vector.shape_cast %parallel_loop3A_777 : vector<1x1x16xf32> to vector<16xf32>
        %parallel_loop3A_779 = arith.addf %parallel_loop3A_765, %parallel_loop3A_778 : vector<16xf32>
        %parallel_loop3A_780 = arith.constant 4 : i32
        %parallel_loop3A_781 = arith.index_cast %parallel_loop3A_780 : i32 to index
        %parallel_loop3A_782 = arith.index_cast %parallel_loop3A_764 : i32 to index
        %parallel_loop3A_783 = arith.constant 16 : index
        %parallel_loop3A_784 = tpu.vector_load %arg6[%parallel_loop3A_781, %parallel_loop3A_782, %parallel_loop3A_783] {strides = array<i32>} : memref<8x50x128xf32, #tpu.memory_space<vmem>>, vector<1x1x16xf32>,
        %parallel_loop3A_785 = vector.shape_cast %parallel_loop3A_784 : vector<1x1x16xf32> to vector<16xf32>
        %parallel_loop3A_786 = arith.addf %parallel_loop3A_766, %parallel_loop3A_785 : vector<16xf32>
        %parallel_loop3A_787 = arith.constant 4 : i32
        %parallel_loop3A_788 = arith.index_cast %parallel_loop3A_787 : i32 to index
        %parallel_loop3A_789 = arith.index_cast %parallel_loop3A_764 : i32 to index
        %parallel_loop3A_790 = arith.constant 32 : index
        %parallel_loop3A_791 = tpu.vector_load %arg6[%parallel_loop3A_788, %parallel_loop3A_789, %parallel_loop3A_790] {strides = array<i32>} : memref<8x50x128xf32, #tpu.memory_space<vmem>>, vector<1x1x16xf32>,
        %parallel_loop3A_792 = vector.shape_cast %parallel_loop3A_791 : vector<1x1x16xf32> to vector<16xf32>
        %parallel_loop3A_793 = arith.addf %parallel_loop3A_767, %parallel_loop3A_792 : vector<16xf32>
        %parallel_loop3A_794 = arith.constant 4 : i32
        %parallel_loop3A_795 = arith.index_cast %parallel_loop3A_794 : i32 to index
        %parallel_loop3A_796 = arith.index_cast %parallel_loop3A_764 : i32 to index
        %parallel_loop3A_797 = arith.constant 48 : index
        %parallel_loop3A_798 = tpu.vector_load %arg6[%parallel_loop3A_795, %parallel_loop3A_796, %parallel_loop3A_797] {strides = array<i32>} : memref<8x50x128xf32, #tpu.memory_space<vmem>>, vector<1x1x16xf32>,
        %parallel_loop3A_799 = vector.shape_cast %parallel_loop3A_798 : vector<1x1x16xf32> to vector<16xf32>
        %parallel_loop3A_800 = arith.addf %parallel_loop3A_768, %parallel_loop3A_799 : vector<16xf32>
        %parallel_loop3A_801 = arith.constant 4 : i32
        %parallel_loop3A_802 = arith.index_cast %parallel_loop3A_801 : i32 to index
        %parallel_loop3A_803 = arith.index_cast %parallel_loop3A_764 : i32 to index
        %parallel_loop3A_804 = arith.constant 64 : index
        %parallel_loop3A_805 = tpu.vector_load %arg6[%parallel_loop3A_802, %parallel_loop3A_803, %parallel_loop3A_804] {strides = array<i32>} : memref<8x50x128xf32, #tpu.memory_space<vmem>>, vector<1x1x16xf32>,
        %parallel_loop3A_806 = vector.shape_cast %parallel_loop3A_805 : vector<1x1x16xf32> to vector<16xf32>
        %parallel_loop3A_807 = arith.addf %parallel_loop3A_769, %parallel_loop3A_806 : vector<16xf32>
        %parallel_loop3A_808 = arith.constant 4 : i32
        %parallel_loop3A_809 = arith.index_cast %parallel_loop3A_808 : i32 to index
        %parallel_loop3A_810 = arith.index_cast %parallel_loop3A_764 : i32 to index
        %parallel_loop3A_811 = arith.constant 80 : index
        %parallel_loop3A_812 = tpu.vector_load %arg6[%parallel_loop3A_809, %parallel_loop3A_810, %parallel_loop3A_811] {strides = array<i32>} : memref<8x50x128xf32, #tpu.memory_space<vmem>>, vector<1x1x16xf32>,
        %parallel_loop3A_813 = vector.shape_cast %parallel_loop3A_812 : vector<1x1x16xf32> to vector<16xf32>
        %parallel_loop3A_814 = arith.addf %parallel_loop3A_770, %parallel_loop3A_813 : vector<16xf32>
        %parallel_loop3A_815 = arith.constant 4 : i32
        %parallel_loop3A_816 = arith.index_cast %parallel_loop3A_815 : i32 to index
        %parallel_loop3A_817 = arith.index_cast %parallel_loop3A_764 : i32 to index
        %parallel_loop3A_818 = arith.constant 96 : index
        %parallel_loop3A_819 = tpu.vector_load %arg6[%parallel_loop3A_816, %parallel_loop3A_817, %parallel_loop3A_818] {strides = array<i32>} : memref<8x50x128xf32, #tpu.memory_space<vmem>>, vector<1x1x16xf32>,
        %parallel_loop3A_820 = vector.shape_cast %parallel_loop3A_819 : vector<1x1x16xf32> to vector<16xf32>
        %parallel_loop3A_821 = arith.addf %parallel_loop3A_771, %parallel_loop3A_820 : vector<16xf32>
        %parallel_loop3A_822 = arith.constant 4 : i32
        %parallel_loop3A_823 = arith.index_cast %parallel_loop3A_822 : i32 to index
        %parallel_loop3A_824 = arith.index_cast %parallel_loop3A_764 : i32 to index
        %parallel_loop3A_825 = arith.constant 112 : index
        %parallel_loop3A_826 = tpu.vector_load %arg6[%parallel_loop3A_823, %parallel_loop3A_824, %parallel_loop3A_825] {strides = array<i32>} : memref<8x50x128xf32, #tpu.memory_space<vmem>>, vector<1x1x16xf32>,
        %parallel_loop3A_827 = vector.shape_cast %parallel_loop3A_826 : vector<1x1x16xf32> to vector<16xf32>
        %parallel_loop3A_828 = arith.addf %parallel_loop3A_772, %parallel_loop3A_827 : vector<16xf32>
        scf.yield %parallel_loop3A_779, %parallel_loop3A_786, %parallel_loop3A_793, %parallel_loop3A_800, %parallel_loop3A_807, %parallel_loop3A_814, %parallel_loop3A_821, %parallel_loop3A_828 : vector<16xf32>, vector<16xf32>, vector<16xf32>, vector<16xf32>, vector<16xf32>, vector<16xf32>, vector<16xf32>, vector<16xf32>
      } {sc.loop_unroll_factor = 5 : i64, sc.parallel_access}
      %swap3A_467 = arith.index_cast %add3A_434 : i32 to index
      %swap3A_468 = arith.constant 0 : index
      %swap3A_469 = tpu.vector_load %arg7[%swap3A_467, %swap3A_468] {strides = array<i32>} : memref<128x128xf32, #tpu.memory_space<vmem>>, vector<1x16xf32>,
      %swap3A_470 = vector.shape_cast %swap3A_469 : vector<1x16xf32> to vector<16xf32>
      %swap3A_471 = vector.shape_cast %parallel_loop3A_466#0 : vector<16xf32> to vector<1x16xf32>
      tpu.vector_store %arg7[%swap3A_467, %swap3A_468], %swap3A_471 {strides = array<i32>} : memref<128x128xf32, #tpu.memory_space<vmem>>, vector<1x16xf32>,
      %swap3A_472 = arith.index_cast %add3A_434 : i32 to index
      %swap3A_473 = arith.constant 16 : index
      %swap3A_474 = tpu.vector_load %arg7[%swap3A_472, %swap3A_473] {strides = array<i32>} : memref<128x128xf32, #tpu.memory_space<vmem>>, vector<1x16xf32>,
      %swap3A_475 = vector.shape_cast %swap3A_474 : vector<1x16xf32> to vector<16xf32>
      %swap3A_476 = vector.shape_cast %parallel_loop3A_466#1 : vector<16xf32> to vector<1x16xf32>
      tpu.vector_store %arg7[%swap3A_472, %swap3A_473], %swap3A_476 {strides = array<i32>} : memref<128x128xf32, #tpu.memory_space<vmem>>, vector<1x16xf32>,
      %swap3A_477 = arith.index_cast %add3A_434 : i32 to index
      %swap3A_478 = arith.constant 32 : index
      %swap3A_479 = tpu.vector_load %arg7[%swap3A_477, %swap3A_478] {strides = array<i32>} : memref<128x128xf32, #tpu.memory_space<vmem>>, vector<1x16xf32>,
      %swap3A_480 = vector.shape_cast %swap3A_479 : vector<1x16xf32> to vector<16xf32>
      %swap3A_481 = vector.shape_cast %parallel_loop3A_466#2 : vector<16xf32> to vector<1x16xf32>
      tpu.vector_store %arg7[%swap3A_477, %swap3A_478], %swap3A_481 {strides = array<i32>} : memref<128x128xf32, #tpu.memory_space<vmem>>, vector<1x16xf32>,
      %swap3A_482 = arith.index_cast %add3A_434 : i32 to index
      %swap3A_483 = arith.constant 48 : index
      %swap3A_484 = tpu.vector_load %arg7[%swap3A_482, %swap3A_483] {strides = array<i32>} : memref<128x128xf32, #tpu.memory_space<vmem>>, vector<1x16xf32>,
      %swap3A_485 = vector.shape_cast %swap3A_484 : vector<1x16xf32> to vector<16xf32>
      %swap3A_486 = vector.shape_cast %parallel_loop3A_466#3 : vector<16xf32> to vector<1x16xf32>
      tpu.vector_store %arg7[%swap3A_482, %swap3A_483], %swap3A_486 {strides = array<i32>} : memref<128x128xf32, #tpu.memory_space<vmem>>, vector<1x16xf32>,
      %swap3A_487 = arith.index_cast %add3A_434 : i32 to index
      %swap3A_488 = arith.constant 64 : index
      %swap3A_489 = tpu.vector_load %arg7[%swap3A_487, %swap3A_488] {strides = array<i32>} : memref<128x128xf32, #tpu.memory_space<vmem>>, vector<1x16xf32>,
      %swap3A_490 = vector.shape_cast %swap3A_489 : vector<1x16xf32> to vector<16xf32>
      %swap3A_491 = vector.shape_cast %parallel_loop3A_466#4 : vector<16xf32> to vector<1x16xf32>
      tpu.vector_store %arg7[%swap3A_487, %swap3A_488], %swap3A_491 {strides = array<i32>} : memref<128x128xf32, #tpu.memory_space<vmem>>, vector<1x16xf32>,
      %swap3A_492 = arith.index_cast %add3A_434 : i32 to index
      %swap3A_493 = arith.constant 80 : index
      %swap3A_494 = tpu.vector_load %arg7[%swap3A_492, %swap3A_493] {strides = array<i32>} : memref<128x128xf32, #tpu.memory_space<vmem>>, vector<1x16xf32>,
      %swap3A_495 = vector.shape_cast %swap3A_494 : vector<1x16xf32> to vector<16xf32>
      %swap3A_496 = vector.shape_cast %parallel_loop3A_466#5 : vector<16xf32> to vector<1x16xf32>
      tpu.vector_store %arg7[%swap3A_492, %swap3A_493], %swap3A_496 {strides = array<i32>} : memref<128x128xf32, #tpu.memory_space<vmem>>, vector<1x16xf32>,
      %swap3A_497 = arith.index_cast %add3A_434 : i32 to index
      %swap3A_498 = arith.constant 96 : index
      %swap3A_499 = tpu.vector_load %arg7[%swap3A_497, %swap3A_498] {strides = array<i32>} : memref<128x128xf32, #tpu.memory_space<vmem>>, vector<1x16xf32>,
      %swap3A_500 = vector.shape_cast %swap3A_499 : vector<1x16xf32> to vector<16xf32>
      %swap3A_501 = vector.shape_cast %parallel_loop3A_466#6 : vector<16xf32> to vector<1x16xf32>
      tpu.vector_store %arg7[%swap3A_497, %swap3A_498], %swap3A_501 {strides = array<i32>} : memref<128x128xf32, #tpu.memory_space<vmem>>, vector<1x16xf32>,
      %swap3A_502 = arith.index_cast %add3A_434 : i32 to index
      %swap3A_503 = arith.constant 112 : index
      %swap3A_504 = tpu.vector_load %arg7[%swap3A_502, %swap3A_503] {strides = array<i32>} : memref<128x128xf32, #tpu.memory_space<vmem>>, vector<1x16xf32>,
      %swap3A_505 = vector.shape_cast %swap3A_504 : vector<1x16xf32> to vector<16xf32>
      %swap3A_506 = vector.shape_cast %parallel_loop3A_466#7 : vector<16xf32> to vector<1x16xf32>
      tpu.vector_store %arg7[%swap3A_502, %swap3A_503], %swap3A_506 {strides = array<i32>} : memref<128x128xf32, #tpu.memory_space<vmem>>, vector<1x16xf32>,
      %add3A_507 = arith.constant 8 : i32
      %add3A_508 = arith.addi %add3A_434, %add3A_507 : i32
      %lt3A_509 = arith.constant 128 : i32
      %lt3A_510 = arith.cmpi slt, %add3A_508, %lt3A_509 : i32
      %convert_element_type3A_511 = arith.extui %lt3A_510 : i1 to i32
      %cond3A_512 = arith.constant 0 : i32
      %cond3A_513 = arith.cmpi ne, %convert_element_type3A_511, %cond3A_512 : i32
      scf.if %cond3A_513 {
        %add3A_764 = arith.constant 8 : i32
        %add3A_765 = arith.addi %add3A_434, %add3A_764 : i32
        %dma_start3A_766 = arith.constant 4 : i32
        %dma_start3A_767 = arith.constant 0 : i32
        %dma_start3A_768 = arith.constant 0 : i32
        %dma_start3A_769 = tpu.memref_slice %arg6[%dma_start3A_766, %dma_start3A_767, %dma_start3A_768] : memref<8x50x128xf32, #tpu.memory_space<vmem>> -> memref<1x50x128xf32, #tpu.memory_space<vmem>>
        %dma_start3A_770 = tpu.memref_squeeze %dma_start3A_769 : memref<1x50x128xf32, #tpu.memory_space<vmem>> -> memref<50x128xf32, #tpu.memory_space<vmem>>
        %dma_start3A_771 = arith.constant 0 : i32
        %dma_start3A_772 = tpu.memref_slice %arg5[%add3A_765, %dma_start3A_771] : memref<128x50xi32, #tpu.memory_space<vmem>> -> memref<1x50xi32, #tpu.memory_space<vmem>>
        %dma_start3A_773 = tpu.memref_squeeze %dma_start3A_772 : memref<1x50xi32, #tpu.memory_space<vmem>> -> memref<50xi32, #tpu.memory_space<vmem>>
        %dma_start3A_774 = arith.constant 0 : i32
        %dma_start3A_775 = arith.constant 0 : i32
        %dma_start3A_776 = tpu.memref_slice %arg3[%dma_start3A_774, %dma_start3A_775] : memref<100000x128xf32, #tpu.memory_space<hbm>> -> memref<100000x128xf32, #tpu.memory_space<hbm>>
        tpu.enqueue_indirect_dma source(%dma_start3A_776 : memref<100000x128xf32, #tpu.memory_space<hbm>>) target(%dma_start3A_770 : memref<50x128xf32, #tpu.memory_space<vmem>>) offsets(%dma_start3A_773 : memref<50xi32, #tpu.memory_space<vmem>>) semaphore(%arg12 : memref<!tpu.dma_semaphore, #tpu.memory_space<semaphore_mem>>)
      } else {
      }
      %mul3A_514 = arith.constant 8 : i32
      %mul3A_515 = arith.muli %scan3A_104, %mul3A_514 : i32
      %add3A_516 = arith.constant 5 : i32
      %add3A_517 = arith.addi %mul3A_515, %add3A_516 : i32
      %dma_wait3A_518 = arith.constant 0 : i32
      %dma_wait3A_519 = arith.constant 5 : i32
      %dma_wait3A_520 = arith.constant 0 : i32
      %dma_wait3A_521 = arith.constant 0 : i32
      %dma_wait3A_522 = tpu.memref_slice %arg6[%dma_wait3A_519, %dma_wait3A_520, %dma_wait3A_521] : memref<8x50x128xf32, #tpu.memory_space<vmem>> -> memref<1x50x128xf32, #tpu.memory_space<vmem>>
      %dma_wait3A_523 = tpu.memref_squeeze %dma_wait3A_522 : memref<1x50x128xf32, #tpu.memory_space<vmem>> -> memref<50x128xf32, #tpu.memory_space<vmem>>
      %dma_wait3A_524 = arith.constant 0 : i32
      %dma_wait3A_525 = tpu.memref_slice %arg5[%dma_wait3A_518, %dma_wait3A_524] : memref<128x50xi32, #tpu.memory_space<vmem>> -> memref<1x50xi32, #tpu.memory_space<vmem>>
      %dma_wait3A_526 = tpu.memref_squeeze %dma_wait3A_525 : memref<1x50xi32, #tpu.memory_space<vmem>> -> memref<50xi32, #tpu.memory_space<vmem>>
      %dma_wait3A_527 = arith.constant 0 : i32
      %dma_wait3A_528 = arith.constant 0 : i32
      %dma_wait3A_529 = tpu.memref_slice %arg3[%dma_wait3A_527, %dma_wait3A_528] : memref<100000x128xf32, #tpu.memory_space<hbm>> -> memref<100000x128xf32, #tpu.memory_space<hbm>>
      tpu.wait_indirect_dma semaphore(%arg13 : memref<!tpu.dma_semaphore, #tpu.memory_space<semaphore_mem>>) src(%dma_wait3A_529 : memref<100000x128xf32, #tpu.memory_space<hbm>>) dst(%dma_wait3A_523 : memref<50x128xf32, #tpu.memory_space<vmem>>)
      %broadcast_in_dim3A_530 = arith.constant 0.000000e+00 : f32
      %broadcast_in_dim3A_531 = vector.broadcast %broadcast_in_dim3A_530 : f32 to vector<16xf32>
      %broadcast_in_dim3A_532 = arith.constant 0.000000e+00 : f32
      %broadcast_in_dim3A_533 = vector.broadcast %broadcast_in_dim3A_532 : f32 to vector<16xf32>
      %broadcast_in_dim3A_534 = arith.constant 0.000000e+00 : f32
      %broadcast_in_dim3A_535 = vector.broadcast %broadcast_in_dim3A_534 : f32 to vector<16xf32>
      %broadcast_in_dim3A_536 = arith.constant 0.000000e+00 : f32
      %broadcast_in_dim3A_537 = vector.broadcast %broadcast_in_dim3A_536 : f32 to vector<16xf32>
      %broadcast_in_dim3A_538 = arith.constant 0.000000e+00 : f32
      %broadcast_in_dim3A_539 = vector.broadcast %broadcast_in_dim3A_538 : f32 to vector<16xf32>
      %broadcast_in_dim3A_540 = arith.constant 0.000000e+00 : f32
      %broadcast_in_dim3A_541 = vector.broadcast %broadcast_in_dim3A_540 : f32 to vector<16xf32>
      %broadcast_in_dim3A_542 = arith.constant 0.000000e+00 : f32
      %broadcast_in_dim3A_543 = vector.broadcast %broadcast_in_dim3A_542 : f32 to vector<16xf32>
      %broadcast_in_dim3A_544 = arith.constant 0.000000e+00 : f32
      %broadcast_in_dim3A_545 = vector.broadcast %broadcast_in_dim3A_544 : f32 to vector<16xf32>
      %parallel_loop3A_546 = arith.constant 0 : i32
      %parallel_loop3A_547 = arith.constant 50 : i32
      %parallel_loop3A_548 = arith.constant 1 : i32
      %parallel_loop3A_549:8 = scf.for %parallel_loop3A_764 = %parallel_loop3A_546 to %parallel_loop3A_547 step %parallel_loop3A_548 iter_args(%parallel_loop3A_765 = %broadcast_in_dim3A_531, %parallel_loop3A_766 = %broadcast_in_dim3A_533, %parallel_loop3A_767 = %broadcast_in_dim3A_535, %parallel_loop3A_768 = %broadcast_in_dim3A_537, %parallel_loop3A_769 = %broadcast_in_dim3A_539, %parallel_loop3A_770 = %broadcast_in_dim3A_541, %parallel_loop3A_771 = %broadcast_in_dim3A_543, %parallel_loop3A_772 = %broadcast_in_dim3A_545) -> (vector<16xf32>, vector<16xf32>, vector<16xf32>, vector<16xf32>, vector<16xf32>, vector<16xf32>, vector<16xf32>, vector<16xf32>)  : i32 {
        %parallel_loop3A_773 = arith.constant 5 : i32
        %parallel_loop3A_774 = arith.index_cast %parallel_loop3A_773 : i32 to index
        %parallel_loop3A_775 = arith.index_cast %parallel_loop3A_764 : i32 to index
        %parallel_loop3A_776 = arith.constant 0 : index
        %parallel_loop3A_777 = tpu.vector_load %arg6[%parallel_loop3A_774, %parallel_loop3A_775, %parallel_loop3A_776] {strides = array<i32>} : memref<8x50x128xf32, #tpu.memory_space<vmem>>, vector<1x1x16xf32>,
        %parallel_loop3A_778 = vector.shape_cast %parallel_loop3A_777 : vector<1x1x16xf32> to vector<16xf32>
        %parallel_loop3A_779 = arith.addf %parallel_loop3A_765, %parallel_loop3A_778 : vector<16xf32>
        %parallel_loop3A_780 = arith.constant 5 : i32
        %parallel_loop3A_781 = arith.index_cast %parallel_loop3A_780 : i32 to index
        %parallel_loop3A_782 = arith.index_cast %parallel_loop3A_764 : i32 to index
        %parallel_loop3A_783 = arith.constant 16 : index
        %parallel_loop3A_784 = tpu.vector_load %arg6[%parallel_loop3A_781, %parallel_loop3A_782, %parallel_loop3A_783] {strides = array<i32>} : memref<8x50x128xf32, #tpu.memory_space<vmem>>, vector<1x1x16xf32>,
        %parallel_loop3A_785 = vector.shape_cast %parallel_loop3A_784 : vector<1x1x16xf32> to vector<16xf32>
        %parallel_loop3A_786 = arith.addf %parallel_loop3A_766, %parallel_loop3A_785 : vector<16xf32>
        %parallel_loop3A_787 = arith.constant 5 : i32
        %parallel_loop3A_788 = arith.index_cast %parallel_loop3A_787 : i32 to index
        %parallel_loop3A_789 = arith.index_cast %parallel_loop3A_764 : i32 to index
        %parallel_loop3A_790 = arith.constant 32 : index
        %parallel_loop3A_791 = tpu.vector_load %arg6[%parallel_loop3A_788, %parallel_loop3A_789, %parallel_loop3A_790] {strides = array<i32>} : memref<8x50x128xf32, #tpu.memory_space<vmem>>, vector<1x1x16xf32>,
        %parallel_loop3A_792 = vector.shape_cast %parallel_loop3A_791 : vector<1x1x16xf32> to vector<16xf32>
        %parallel_loop3A_793 = arith.addf %parallel_loop3A_767, %parallel_loop3A_792 : vector<16xf32>
        %parallel_loop3A_794 = arith.constant 5 : i32
        %parallel_loop3A_795 = arith.index_cast %parallel_loop3A_794 : i32 to index
        %parallel_loop3A_796 = arith.index_cast %parallel_loop3A_764 : i32 to index
        %parallel_loop3A_797 = arith.constant 48 : index
        %parallel_loop3A_798 = tpu.vector_load %arg6[%parallel_loop3A_795, %parallel_loop3A_796, %parallel_loop3A_797] {strides = array<i32>} : memref<8x50x128xf32, #tpu.memory_space<vmem>>, vector<1x1x16xf32>,
        %parallel_loop3A_799 = vector.shape_cast %parallel_loop3A_798 : vector<1x1x16xf32> to vector<16xf32>
        %parallel_loop3A_800 = arith.addf %parallel_loop3A_768, %parallel_loop3A_799 : vector<16xf32>
        %parallel_loop3A_801 = arith.constant 5 : i32
        %parallel_loop3A_802 = arith.index_cast %parallel_loop3A_801 : i32 to index
        %parallel_loop3A_803 = arith.index_cast %parallel_loop3A_764 : i32 to index
        %parallel_loop3A_804 = arith.constant 64 : index
        %parallel_loop3A_805 = tpu.vector_load %arg6[%parallel_loop3A_802, %parallel_loop3A_803, %parallel_loop3A_804] {strides = array<i32>} : memref<8x50x128xf32, #tpu.memory_space<vmem>>, vector<1x1x16xf32>,
        %parallel_loop3A_806 = vector.shape_cast %parallel_loop3A_805 : vector<1x1x16xf32> to vector<16xf32>
        %parallel_loop3A_807 = arith.addf %parallel_loop3A_769, %parallel_loop3A_806 : vector<16xf32>
        %parallel_loop3A_808 = arith.constant 5 : i32
        %parallel_loop3A_809 = arith.index_cast %parallel_loop3A_808 : i32 to index
        %parallel_loop3A_810 = arith.index_cast %parallel_loop3A_764 : i32 to index
        %parallel_loop3A_811 = arith.constant 80 : index
        %parallel_loop3A_812 = tpu.vector_load %arg6[%parallel_loop3A_809, %parallel_loop3A_810, %parallel_loop3A_811] {strides = array<i32>} : memref<8x50x128xf32, #tpu.memory_space<vmem>>, vector<1x1x16xf32>,
        %parallel_loop3A_813 = vector.shape_cast %parallel_loop3A_812 : vector<1x1x16xf32> to vector<16xf32>
        %parallel_loop3A_814 = arith.addf %parallel_loop3A_770, %parallel_loop3A_813 : vector<16xf32>
        %parallel_loop3A_815 = arith.constant 5 : i32
        %parallel_loop3A_816 = arith.index_cast %parallel_loop3A_815 : i32 to index
        %parallel_loop3A_817 = arith.index_cast %parallel_loop3A_764 : i32 to index
        %parallel_loop3A_818 = arith.constant 96 : index
        %parallel_loop3A_819 = tpu.vector_load %arg6[%parallel_loop3A_816, %parallel_loop3A_817, %parallel_loop3A_818] {strides = array<i32>} : memref<8x50x128xf32, #tpu.memory_space<vmem>>, vector<1x1x16xf32>,
        %parallel_loop3A_820 = vector.shape_cast %parallel_loop3A_819 : vector<1x1x16xf32> to vector<16xf32>
        %parallel_loop3A_821 = arith.addf %parallel_loop3A_771, %parallel_loop3A_820 : vector<16xf32>
        %parallel_loop3A_822 = arith.constant 5 : i32
        %parallel_loop3A_823 = arith.index_cast %parallel_loop3A_822 : i32 to index
        %parallel_loop3A_824 = arith.index_cast %parallel_loop3A_764 : i32 to index
        %parallel_loop3A_825 = arith.constant 112 : index
        %parallel_loop3A_826 = tpu.vector_load %arg6[%parallel_loop3A_823, %parallel_loop3A_824, %parallel_loop3A_825] {strides = array<i32>} : memref<8x50x128xf32, #tpu.memory_space<vmem>>, vector<1x1x16xf32>,
        %parallel_loop3A_827 = vector.shape_cast %parallel_loop3A_826 : vector<1x1x16xf32> to vector<16xf32>
        %parallel_loop3A_828 = arith.addf %parallel_loop3A_772, %parallel_loop3A_827 : vector<16xf32>
        scf.yield %parallel_loop3A_779, %parallel_loop3A_786, %parallel_loop3A_793, %parallel_loop3A_800, %parallel_loop3A_807, %parallel_loop3A_814, %parallel_loop3A_821, %parallel_loop3A_828 : vector<16xf32>, vector<16xf32>, vector<16xf32>, vector<16xf32>, vector<16xf32>, vector<16xf32>, vector<16xf32>, vector<16xf32>
      } {sc.loop_unroll_factor = 5 : i64, sc.parallel_access}
      %swap3A_550 = arith.index_cast %add3A_517 : i32 to index
      %swap3A_551 = arith.constant 0 : index
      %swap3A_552 = tpu.vector_load %arg7[%swap3A_550, %swap3A_551] {strides = array<i32>} : memref<128x128xf32, #tpu.memory_space<vmem>>, vector<1x16xf32>,
      %swap3A_553 = vector.shape_cast %swap3A_552 : vector<1x16xf32> to vector<16xf32>
      %swap3A_554 = vector.shape_cast %parallel_loop3A_549#0 : vector<16xf32> to vector<1x16xf32>
      tpu.vector_store %arg7[%swap3A_550, %swap3A_551], %swap3A_554 {strides = array<i32>} : memref<128x128xf32, #tpu.memory_space<vmem>>, vector<1x16xf32>,
      %swap3A_555 = arith.index_cast %add3A_517 : i32 to index
      %swap3A_556 = arith.constant 16 : index
      %swap3A_557 = tpu.vector_load %arg7[%swap3A_555, %swap3A_556] {strides = array<i32>} : memref<128x128xf32, #tpu.memory_space<vmem>>, vector<1x16xf32>,
      %swap3A_558 = vector.shape_cast %swap3A_557 : vector<1x16xf32> to vector<16xf32>
      %swap3A_559 = vector.shape_cast %parallel_loop3A_549#1 : vector<16xf32> to vector<1x16xf32>
      tpu.vector_store %arg7[%swap3A_555, %swap3A_556], %swap3A_559 {strides = array<i32>} : memref<128x128xf32, #tpu.memory_space<vmem>>, vector<1x16xf32>,
      %swap3A_560 = arith.index_cast %add3A_517 : i32 to index
      %swap3A_561 = arith.constant 32 : index
      %swap3A_562 = tpu.vector_load %arg7[%swap3A_560, %swap3A_561] {strides = array<i32>} : memref<128x128xf32, #tpu.memory_space<vmem>>, vector<1x16xf32>,
      %swap3A_563 = vector.shape_cast %swap3A_562 : vector<1x16xf32> to vector<16xf32>
      %swap3A_564 = vector.shape_cast %parallel_loop3A_549#2 : vector<16xf32> to vector<1x16xf32>
      tpu.vector_store %arg7[%swap3A_560, %swap3A_561], %swap3A_564 {strides = array<i32>} : memref<128x128xf32, #tpu.memory_space<vmem>>, vector<1x16xf32>,
      %swap3A_565 = arith.index_cast %add3A_517 : i32 to index
      %swap3A_566 = arith.constant 48 : index
      %swap3A_567 = tpu.vector_load %arg7[%swap3A_565, %swap3A_566] {strides = array<i32>} : memref<128x128xf32, #tpu.memory_space<vmem>>, vector<1x16xf32>,
      %swap3A_568 = vector.shape_cast %swap3A_567 : vector<1x16xf32> to vector<16xf32>
      %swap3A_569 = vector.shape_cast %parallel_loop3A_549#3 : vector<16xf32> to vector<1x16xf32>
      tpu.vector_store %arg7[%swap3A_565, %swap3A_566], %swap3A_569 {strides = array<i32>} : memref<128x128xf32, #tpu.memory_space<vmem>>, vector<1x16xf32>,
      %swap3A_570 = arith.index_cast %add3A_517 : i32 to index
      %swap3A_571 = arith.constant 64 : index
      %swap3A_572 = tpu.vector_load %arg7[%swap3A_570, %swap3A_571] {strides = array<i32>} : memref<128x128xf32, #tpu.memory_space<vmem>>, vector<1x16xf32>,
      %swap3A_573 = vector.shape_cast %swap3A_572 : vector<1x16xf32> to vector<16xf32>
      %swap3A_574 = vector.shape_cast %parallel_loop3A_549#4 : vector<16xf32> to vector<1x16xf32>
      tpu.vector_store %arg7[%swap3A_570, %swap3A_571], %swap3A_574 {strides = array<i32>} : memref<128x128xf32, #tpu.memory_space<vmem>>, vector<1x16xf32>,
      %swap3A_575 = arith.index_cast %add3A_517 : i32 to index
      %swap3A_576 = arith.constant 80 : index
      %swap3A_577 = tpu.vector_load %arg7[%swap3A_575, %swap3A_576] {strides = array<i32>} : memref<128x128xf32, #tpu.memory_space<vmem>>, vector<1x16xf32>,
      %swap3A_578 = vector.shape_cast %swap3A_577 : vector<1x16xf32> to vector<16xf32>
      %swap3A_579 = vector.shape_cast %parallel_loop3A_549#5 : vector<16xf32> to vector<1x16xf32>
      tpu.vector_store %arg7[%swap3A_575, %swap3A_576], %swap3A_579 {strides = array<i32>} : memref<128x128xf32, #tpu.memory_space<vmem>>, vector<1x16xf32>,
      %swap3A_580 = arith.index_cast %add3A_517 : i32 to index
      %swap3A_581 = arith.constant 96 : index
      %swap3A_582 = tpu.vector_load %arg7[%swap3A_580, %swap3A_581] {strides = array<i32>} : memref<128x128xf32, #tpu.memory_space<vmem>>, vector<1x16xf32>,
      %swap3A_583 = vector.shape_cast %swap3A_582 : vector<1x16xf32> to vector<16xf32>
      %swap3A_584 = vector.shape_cast %parallel_loop3A_549#6 : vector<16xf32> to vector<1x16xf32>
      tpu.vector_store %arg7[%swap3A_580, %swap3A_581], %swap3A_584 {strides = array<i32>} : memref<128x128xf32, #tpu.memory_space<vmem>>, vector<1x16xf32>,
      %swap3A_585 = arith.index_cast %add3A_517 : i32 to index
      %swap3A_586 = arith.constant 112 : index
      %swap3A_587 = tpu.vector_load %arg7[%swap3A_585, %swap3A_586] {strides = array<i32>} : memref<128x128xf32, #tpu.memory_space<vmem>>, vector<1x16xf32>,
      %swap3A_588 = vector.shape_cast %swap3A_587 : vector<1x16xf32> to vector<16xf32>
      %swap3A_589 = vector.shape_cast %parallel_loop3A_549#7 : vector<16xf32> to vector<1x16xf32>
      tpu.vector_store %arg7[%swap3A_585, %swap3A_586], %swap3A_589 {strides = array<i32>} : memref<128x128xf32, #tpu.memory_space<vmem>>, vector<1x16xf32>,
      %add3A_590 = arith.constant 8 : i32
      %add3A_591 = arith.addi %add3A_517, %add3A_590 : i32
      %lt3A_592 = arith.constant 128 : i32
      %lt3A_593 = arith.cmpi slt, %add3A_591, %lt3A_592 : i32
      %convert_element_type3A_594 = arith.extui %lt3A_593 : i1 to i32
      %cond3A_595 = arith.constant 0 : i32
      %cond3A_596 = arith.cmpi ne, %convert_element_type3A_594, %cond3A_595 : i32
      scf.if %cond3A_596 {
        %add3A_764 = arith.constant 8 : i32
        %add3A_765 = arith.addi %add3A_517, %add3A_764 : i32
        %dma_start3A_766 = arith.constant 5 : i32
        %dma_start3A_767 = arith.constant 0 : i32
        %dma_start3A_768 = arith.constant 0 : i32
        %dma_start3A_769 = tpu.memref_slice %arg6[%dma_start3A_766, %dma_start3A_767, %dma_start3A_768] : memref<8x50x128xf32, #tpu.memory_space<vmem>> -> memref<1x50x128xf32, #tpu.memory_space<vmem>>
        %dma_start3A_770 = tpu.memref_squeeze %dma_start3A_769 : memref<1x50x128xf32, #tpu.memory_space<vmem>> -> memref<50x128xf32, #tpu.memory_space<vmem>>
        %dma_start3A_771 = arith.constant 0 : i32
        %dma_start3A_772 = tpu.memref_slice %arg5[%add3A_765, %dma_start3A_771] : memref<128x50xi32, #tpu.memory_space<vmem>> -> memref<1x50xi32, #tpu.memory_space<vmem>>
        %dma_start3A_773 = tpu.memref_squeeze %dma_start3A_772 : memref<1x50xi32, #tpu.memory_space<vmem>> -> memref<50xi32, #tpu.memory_space<vmem>>
        %dma_start3A_774 = arith.constant 0 : i32
        %dma_start3A_775 = arith.constant 0 : i32
        %dma_start3A_776 = tpu.memref_slice %arg3[%dma_start3A_774, %dma_start3A_775] : memref<100000x128xf32, #tpu.memory_space<hbm>> -> memref<100000x128xf32, #tpu.memory_space<hbm>>
        tpu.enqueue_indirect_dma source(%dma_start3A_776 : memref<100000x128xf32, #tpu.memory_space<hbm>>) target(%dma_start3A_770 : memref<50x128xf32, #tpu.memory_space<vmem>>) offsets(%dma_start3A_773 : memref<50xi32, #tpu.memory_space<vmem>>) semaphore(%arg13 : memref<!tpu.dma_semaphore, #tpu.memory_space<semaphore_mem>>)
      } else {
      }
      %mul3A_597 = arith.constant 8 : i32
      %mul3A_598 = arith.muli %scan3A_104, %mul3A_597 : i32
      %add3A_599 = arith.constant 6 : i32
      %add3A_600 = arith.addi %mul3A_598, %add3A_599 : i32
      %dma_wait3A_601 = arith.constant 0 : i32
      %dma_wait3A_602 = arith.constant 6 : i32
      %dma_wait3A_603 = arith.constant 0 : i32
      %dma_wait3A_604 = arith.constant 0 : i32
      %dma_wait3A_605 = tpu.memref_slice %arg6[%dma_wait3A_602, %dma_wait3A_603, %dma_wait3A_604] : memref<8x50x128xf32, #tpu.memory_space<vmem>> -> memref<1x50x128xf32, #tpu.memory_space<vmem>>
      %dma_wait3A_606 = tpu.memref_squeeze %dma_wait3A_605 : memref<1x50x128xf32, #tpu.memory_space<vmem>> -> memref<50x128xf32, #tpu.memory_space<vmem>>
      %dma_wait3A_607 = arith.constant 0 : i32
      %dma_wait3A_608 = tpu.memref_slice %arg5[%dma_wait3A_601, %dma_wait3A_607] : memref<128x50xi32, #tpu.memory_space<vmem>> -> memref<1x50xi32, #tpu.memory_space<vmem>>
      %dma_wait3A_609 = tpu.memref_squeeze %dma_wait3A_608 : memref<1x50xi32, #tpu.memory_space<vmem>> -> memref<50xi32, #tpu.memory_space<vmem>>
      %dma_wait3A_610 = arith.constant 0 : i32
      %dma_wait3A_611 = arith.constant 0 : i32
      %dma_wait3A_612 = tpu.memref_slice %arg3[%dma_wait3A_610, %dma_wait3A_611] : memref<100000x128xf32, #tpu.memory_space<hbm>> -> memref<100000x128xf32, #tpu.memory_space<hbm>>
      tpu.wait_indirect_dma semaphore(%arg14 : memref<!tpu.dma_semaphore, #tpu.memory_space<semaphore_mem>>) src(%dma_wait3A_612 : memref<100000x128xf32, #tpu.memory_space<hbm>>) dst(%dma_wait3A_606 : memref<50x128xf32, #tpu.memory_space<vmem>>)
      %broadcast_in_dim3A_613 = arith.constant 0.000000e+00 : f32
      %broadcast_in_dim3A_614 = vector.broadcast %broadcast_in_dim3A_613 : f32 to vector<16xf32>
      %broadcast_in_dim3A_615 = arith.constant 0.000000e+00 : f32
      %broadcast_in_dim3A_616 = vector.broadcast %broadcast_in_dim3A_615 : f32 to vector<16xf32>
      %broadcast_in_dim3A_617 = arith.constant 0.000000e+00 : f32
      %broadcast_in_dim3A_618 = vector.broadcast %broadcast_in_dim3A_617 : f32 to vector<16xf32>
      %broadcast_in_dim3A_619 = arith.constant 0.000000e+00 : f32
      %broadcast_in_dim3A_620 = vector.broadcast %broadcast_in_dim3A_619 : f32 to vector<16xf32>
      %broadcast_in_dim3A_621 = arith.constant 0.000000e+00 : f32
      %broadcast_in_dim3A_622 = vector.broadcast %broadcast_in_dim3A_621 : f32 to vector<16xf32>
      %broadcast_in_dim3A_623 = arith.constant 0.000000e+00 : f32
      %broadcast_in_dim3A_624 = vector.broadcast %broadcast_in_dim3A_623 : f32 to vector<16xf32>
      %broadcast_in_dim3A_625 = arith.constant 0.000000e+00 : f32
      %broadcast_in_dim3A_626 = vector.broadcast %broadcast_in_dim3A_625 : f32 to vector<16xf32>
      %broadcast_in_dim3A_627 = arith.constant 0.000000e+00 : f32
      %broadcast_in_dim3A_628 = vector.broadcast %broadcast_in_dim3A_627 : f32 to vector<16xf32>
      %parallel_loop3A_629 = arith.constant 0 : i32
      %parallel_loop3A_630 = arith.constant 50 : i32
      %parallel_loop3A_631 = arith.constant 1 : i32
      %parallel_loop3A_632:8 = scf.for %parallel_loop3A_764 = %parallel_loop3A_629 to %parallel_loop3A_630 step %parallel_loop3A_631 iter_args(%parallel_loop3A_765 = %broadcast_in_dim3A_614, %parallel_loop3A_766 = %broadcast_in_dim3A_616, %parallel_loop3A_767 = %broadcast_in_dim3A_618, %parallel_loop3A_768 = %broadcast_in_dim3A_620, %parallel_loop3A_769 = %broadcast_in_dim3A_622, %parallel_loop3A_770 = %broadcast_in_dim3A_624, %parallel_loop3A_771 = %broadcast_in_dim3A_626, %parallel_loop3A_772 = %broadcast_in_dim3A_628) -> (vector<16xf32>, vector<16xf32>, vector<16xf32>, vector<16xf32>, vector<16xf32>, vector<16xf32>, vector<16xf32>, vector<16xf32>)  : i32 {
        %parallel_loop3A_773 = arith.constant 6 : i32
        %parallel_loop3A_774 = arith.index_cast %parallel_loop3A_773 : i32 to index
        %parallel_loop3A_775 = arith.index_cast %parallel_loop3A_764 : i32 to index
        %parallel_loop3A_776 = arith.constant 0 : index
        %parallel_loop3A_777 = tpu.vector_load %arg6[%parallel_loop3A_774, %parallel_loop3A_775, %parallel_loop3A_776] {strides = array<i32>} : memref<8x50x128xf32, #tpu.memory_space<vmem>>, vector<1x1x16xf32>,
        %parallel_loop3A_778 = vector.shape_cast %parallel_loop3A_777 : vector<1x1x16xf32> to vector<16xf32>
        %parallel_loop3A_779 = arith.addf %parallel_loop3A_765, %parallel_loop3A_778 : vector<16xf32>
        %parallel_loop3A_780 = arith.constant 6 : i32
        %parallel_loop3A_781 = arith.index_cast %parallel_loop3A_780 : i32 to index
        %parallel_loop3A_782 = arith.index_cast %parallel_loop3A_764 : i32 to index
        %parallel_loop3A_783 = arith.constant 16 : index
        %parallel_loop3A_784 = tpu.vector_load %arg6[%parallel_loop3A_781, %parallel_loop3A_782, %parallel_loop3A_783] {strides = array<i32>} : memref<8x50x128xf32, #tpu.memory_space<vmem>>, vector<1x1x16xf32>,
        %parallel_loop3A_785 = vector.shape_cast %parallel_loop3A_784 : vector<1x1x16xf32> to vector<16xf32>
        %parallel_loop3A_786 = arith.addf %parallel_loop3A_766, %parallel_loop3A_785 : vector<16xf32>
        %parallel_loop3A_787 = arith.constant 6 : i32
        %parallel_loop3A_788 = arith.index_cast %parallel_loop3A_787 : i32 to index
        %parallel_loop3A_789 = arith.index_cast %parallel_loop3A_764 : i32 to index
        %parallel_loop3A_790 = arith.constant 32 : index
        %parallel_loop3A_791 = tpu.vector_load %arg6[%parallel_loop3A_788, %parallel_loop3A_789, %parallel_loop3A_790] {strides = array<i32>} : memref<8x50x128xf32, #tpu.memory_space<vmem>>, vector<1x1x16xf32>,
        %parallel_loop3A_792 = vector.shape_cast %parallel_loop3A_791 : vector<1x1x16xf32> to vector<16xf32>
        %parallel_loop3A_793 = arith.addf %parallel_loop3A_767, %parallel_loop3A_792 : vector<16xf32>
        %parallel_loop3A_794 = arith.constant 6 : i32
        %parallel_loop3A_795 = arith.index_cast %parallel_loop3A_794 : i32 to index
        %parallel_loop3A_796 = arith.index_cast %parallel_loop3A_764 : i32 to index
        %parallel_loop3A_797 = arith.constant 48 : index
        %parallel_loop3A_798 = tpu.vector_load %arg6[%parallel_loop3A_795, %parallel_loop3A_796, %parallel_loop3A_797] {strides = array<i32>} : memref<8x50x128xf32, #tpu.memory_space<vmem>>, vector<1x1x16xf32>,
        %parallel_loop3A_799 = vector.shape_cast %parallel_loop3A_798 : vector<1x1x16xf32> to vector<16xf32>
        %parallel_loop3A_800 = arith.addf %parallel_loop3A_768, %parallel_loop3A_799 : vector<16xf32>
        %parallel_loop3A_801 = arith.constant 6 : i32
        %parallel_loop3A_802 = arith.index_cast %parallel_loop3A_801 : i32 to index
        %parallel_loop3A_803 = arith.index_cast %parallel_loop3A_764 : i32 to index
        %parallel_loop3A_804 = arith.constant 64 : index
        %parallel_loop3A_805 = tpu.vector_load %arg6[%parallel_loop3A_802, %parallel_loop3A_803, %parallel_loop3A_804] {strides = array<i32>} : memref<8x50x128xf32, #tpu.memory_space<vmem>>, vector<1x1x16xf32>,
        %parallel_loop3A_806 = vector.shape_cast %parallel_loop3A_805 : vector<1x1x16xf32> to vector<16xf32>
        %parallel_loop3A_807 = arith.addf %parallel_loop3A_769, %parallel_loop3A_806 : vector<16xf32>
        %parallel_loop3A_808 = arith.constant 6 : i32
        %parallel_loop3A_809 = arith.index_cast %parallel_loop3A_808 : i32 to index
        %parallel_loop3A_810 = arith.index_cast %parallel_loop3A_764 : i32 to index
        %parallel_loop3A_811 = arith.constant 80 : index
        %parallel_loop3A_812 = tpu.vector_load %arg6[%parallel_loop3A_809, %parallel_loop3A_810, %parallel_loop3A_811] {strides = array<i32>} : memref<8x50x128xf32, #tpu.memory_space<vmem>>, vector<1x1x16xf32>,
        %parallel_loop3A_813 = vector.shape_cast %parallel_loop3A_812 : vector<1x1x16xf32> to vector<16xf32>
        %parallel_loop3A_814 = arith.addf %parallel_loop3A_770, %parallel_loop3A_813 : vector<16xf32>
        %parallel_loop3A_815 = arith.constant 6 : i32
        %parallel_loop3A_816 = arith.index_cast %parallel_loop3A_815 : i32 to index
        %parallel_loop3A_817 = arith.index_cast %parallel_loop3A_764 : i32 to index
        %parallel_loop3A_818 = arith.constant 96 : index
        %parallel_loop3A_819 = tpu.vector_load %arg6[%parallel_loop3A_816, %parallel_loop3A_817, %parallel_loop3A_818] {strides = array<i32>} : memref<8x50x128xf32, #tpu.memory_space<vmem>>, vector<1x1x16xf32>,
        %parallel_loop3A_820 = vector.shape_cast %parallel_loop3A_819 : vector<1x1x16xf32> to vector<16xf32>
        %parallel_loop3A_821 = arith.addf %parallel_loop3A_771, %parallel_loop3A_820 : vector<16xf32>
        %parallel_loop3A_822 = arith.constant 6 : i32
        %parallel_loop3A_823 = arith.index_cast %parallel_loop3A_822 : i32 to index
        %parallel_loop3A_824 = arith.index_cast %parallel_loop3A_764 : i32 to index
        %parallel_loop3A_825 = arith.constant 112 : index
        %parallel_loop3A_826 = tpu.vector_load %arg6[%parallel_loop3A_823, %parallel_loop3A_824, %parallel_loop3A_825] {strides = array<i32>} : memref<8x50x128xf32, #tpu.memory_space<vmem>>, vector<1x1x16xf32>,
        %parallel_loop3A_827 = vector.shape_cast %parallel_loop3A_826 : vector<1x1x16xf32> to vector<16xf32>
        %parallel_loop3A_828 = arith.addf %parallel_loop3A_772, %parallel_loop3A_827 : vector<16xf32>
        scf.yield %parallel_loop3A_779, %parallel_loop3A_786, %parallel_loop3A_793, %parallel_loop3A_800, %parallel_loop3A_807, %parallel_loop3A_814, %parallel_loop3A_821, %parallel_loop3A_828 : vector<16xf32>, vector<16xf32>, vector<16xf32>, vector<16xf32>, vector<16xf32>, vector<16xf32>, vector<16xf32>, vector<16xf32>
      } {sc.loop_unroll_factor = 5 : i64, sc.parallel_access}
      %swap3A_633 = arith.index_cast %add3A_600 : i32 to index
      %swap3A_634 = arith.constant 0 : index
      %swap3A_635 = tpu.vector_load %arg7[%swap3A_633, %swap3A_634] {strides = array<i32>} : memref<128x128xf32, #tpu.memory_space<vmem>>, vector<1x16xf32>,
      %swap3A_636 = vector.shape_cast %swap3A_635 : vector<1x16xf32> to vector<16xf32>
      %swap3A_637 = vector.shape_cast %parallel_loop3A_632#0 : vector<16xf32> to vector<1x16xf32>
      tpu.vector_store %arg7[%swap3A_633, %swap3A_634], %swap3A_637 {strides = array<i32>} : memref<128x128xf32, #tpu.memory_space<vmem>>, vector<1x16xf32>,
      %swap3A_638 = arith.index_cast %add3A_600 : i32 to index
      %swap3A_639 = arith.constant 16 : index
      %swap3A_640 = tpu.vector_load %arg7[%swap3A_638, %swap3A_639] {strides = array<i32>} : memref<128x128xf32, #tpu.memory_space<vmem>>, vector<1x16xf32>,
      %swap3A_641 = vector.shape_cast %swap3A_640 : vector<1x16xf32> to vector<16xf32>
      %swap3A_642 = vector.shape_cast %parallel_loop3A_632#1 : vector<16xf32> to vector<1x16xf32>
      tpu.vector_store %arg7[%swap3A_638, %swap3A_639], %swap3A_642 {strides = array<i32>} : memref<128x128xf32, #tpu.memory_space<vmem>>, vector<1x16xf32>,
      %swap3A_643 = arith.index_cast %add3A_600 : i32 to index
      %swap3A_644 = arith.constant 32 : index
      %swap3A_645 = tpu.vector_load %arg7[%swap3A_643, %swap3A_644] {strides = array<i32>} : memref<128x128xf32, #tpu.memory_space<vmem>>, vector<1x16xf32>,
      %swap3A_646 = vector.shape_cast %swap3A_645 : vector<1x16xf32> to vector<16xf32>
      %swap3A_647 = vector.shape_cast %parallel_loop3A_632#2 : vector<16xf32> to vector<1x16xf32>
      tpu.vector_store %arg7[%swap3A_643, %swap3A_644], %swap3A_647 {strides = array<i32>} : memref<128x128xf32, #tpu.memory_space<vmem>>, vector<1x16xf32>,
      %swap3A_648 = arith.index_cast %add3A_600 : i32 to index
      %swap3A_649 = arith.constant 48 : index
      %swap3A_650 = tpu.vector_load %arg7[%swap3A_648, %swap3A_649] {strides = array<i32>} : memref<128x128xf32, #tpu.memory_space<vmem>>, vector<1x16xf32>,
      %swap3A_651 = vector.shape_cast %swap3A_650 : vector<1x16xf32> to vector<16xf32>
      %swap3A_652 = vector.shape_cast %parallel_loop3A_632#3 : vector<16xf32> to vector<1x16xf32>
      tpu.vector_store %arg7[%swap3A_648, %swap3A_649], %swap3A_652 {strides = array<i32>} : memref<128x128xf32, #tpu.memory_space<vmem>>, vector<1x16xf32>,
      %swap3A_653 = arith.index_cast %add3A_600 : i32 to index
      %swap3A_654 = arith.constant 64 : index
      %swap3A_655 = tpu.vector_load %arg7[%swap3A_653, %swap3A_654] {strides = array<i32>} : memref<128x128xf32, #tpu.memory_space<vmem>>, vector<1x16xf32>,
      %swap3A_656 = vector.shape_cast %swap3A_655 : vector<1x16xf32> to vector<16xf32>
      %swap3A_657 = vector.shape_cast %parallel_loop3A_632#4 : vector<16xf32> to vector<1x16xf32>
      tpu.vector_store %arg7[%swap3A_653, %swap3A_654], %swap3A_657 {strides = array<i32>} : memref<128x128xf32, #tpu.memory_space<vmem>>, vector<1x16xf32>,
      %swap3A_658 = arith.index_cast %add3A_600 : i32 to index
      %swap3A_659 = arith.constant 80 : index
      %swap3A_660 = tpu.vector_load %arg7[%swap3A_658, %swap3A_659] {strides = array<i32>} : memref<128x128xf32, #tpu.memory_space<vmem>>, vector<1x16xf32>,
      %swap3A_661 = vector.shape_cast %swap3A_660 : vector<1x16xf32> to vector<16xf32>
      %swap3A_662 = vector.shape_cast %parallel_loop3A_632#5 : vector<16xf32> to vector<1x16xf32>
      tpu.vector_store %arg7[%swap3A_658, %swap3A_659], %swap3A_662 {strides = array<i32>} : memref<128x128xf32, #tpu.memory_space<vmem>>, vector<1x16xf32>,
      %swap3A_663 = arith.index_cast %add3A_600 : i32 to index
      %swap3A_664 = arith.constant 96 : index
      %swap3A_665 = tpu.vector_load %arg7[%swap3A_663, %swap3A_664] {strides = array<i32>} : memref<128x128xf32, #tpu.memory_space<vmem>>, vector<1x16xf32>,
      %swap3A_666 = vector.shape_cast %swap3A_665 : vector<1x16xf32> to vector<16xf32>
      %swap3A_667 = vector.shape_cast %parallel_loop3A_632#6 : vector<16xf32> to vector<1x16xf32>
      tpu.vector_store %arg7[%swap3A_663, %swap3A_664], %swap3A_667 {strides = array<i32>} : memref<128x128xf32, #tpu.memory_space<vmem>>, vector<1x16xf32>,
      %swap3A_668 = arith.index_cast %add3A_600 : i32 to index
      %swap3A_669 = arith.constant 112 : index
      %swap3A_670 = tpu.vector_load %arg7[%swap3A_668, %swap3A_669] {strides = array<i32>} : memref<128x128xf32, #tpu.memory_space<vmem>>, vector<1x16xf32>,
      %swap3A_671 = vector.shape_cast %swap3A_670 : vector<1x16xf32> to vector<16xf32>
      %swap3A_672 = vector.shape_cast %parallel_loop3A_632#7 : vector<16xf32> to vector<1x16xf32>
      tpu.vector_store %arg7[%swap3A_668, %swap3A_669], %swap3A_672 {strides = array<i32>} : memref<128x128xf32, #tpu.memory_space<vmem>>, vector<1x16xf32>,
      %add3A_673 = arith.constant 8 : i32
      %add3A_674 = arith.addi %add3A_600, %add3A_673 : i32
      %lt3A_675 = arith.constant 128 : i32
      %lt3A_676 = arith.cmpi slt, %add3A_674, %lt3A_675 : i32
      %convert_element_type3A_677 = arith.extui %lt3A_676 : i1 to i32
      %cond3A_678 = arith.constant 0 : i32
      %cond3A_679 = arith.cmpi ne, %convert_element_type3A_677, %cond3A_678 : i32
      scf.if %cond3A_679 {
        %add3A_764 = arith.constant 8 : i32
        %add3A_765 = arith.addi %add3A_600, %add3A_764 : i32
        %dma_start3A_766 = arith.constant 6 : i32
        %dma_start3A_767 = arith.constant 0 : i32
        %dma_start3A_768 = arith.constant 0 : i32
        %dma_start3A_769 = tpu.memref_slice %arg6[%dma_start3A_766, %dma_start3A_767, %dma_start3A_768] : memref<8x50x128xf32, #tpu.memory_space<vmem>> -> memref<1x50x128xf32, #tpu.memory_space<vmem>>
        %dma_start3A_770 = tpu.memref_squeeze %dma_start3A_769 : memref<1x50x128xf32, #tpu.memory_space<vmem>> -> memref<50x128xf32, #tpu.memory_space<vmem>>
        %dma_start3A_771 = arith.constant 0 : i32
        %dma_start3A_772 = tpu.memref_slice %arg5[%add3A_765, %dma_start3A_771] : memref<128x50xi32, #tpu.memory_space<vmem>> -> memref<1x50xi32, #tpu.memory_space<vmem>>
        %dma_start3A_773 = tpu.memref_squeeze %dma_start3A_772 : memref<1x50xi32, #tpu.memory_space<vmem>> -> memref<50xi32, #tpu.memory_space<vmem>>
        %dma_start3A_774 = arith.constant 0 : i32
        %dma_start3A_775 = arith.constant 0 : i32
        %dma_start3A_776 = tpu.memref_slice %arg3[%dma_start3A_774, %dma_start3A_775] : memref<100000x128xf32, #tpu.memory_space<hbm>> -> memref<100000x128xf32, #tpu.memory_space<hbm>>
        tpu.enqueue_indirect_dma source(%dma_start3A_776 : memref<100000x128xf32, #tpu.memory_space<hbm>>) target(%dma_start3A_770 : memref<50x128xf32, #tpu.memory_space<vmem>>) offsets(%dma_start3A_773 : memref<50xi32, #tpu.memory_space<vmem>>) semaphore(%arg14 : memref<!tpu.dma_semaphore, #tpu.memory_space<semaphore_mem>>)
      } else {
      }
      %mul3A_680 = arith.constant 8 : i32
      %mul3A_681 = arith.muli %scan3A_104, %mul3A_680 : i32
      %add3A_682 = arith.constant 7 : i32
      %add3A_683 = arith.addi %mul3A_681, %add3A_682 : i32
      %dma_wait3A_684 = arith.constant 0 : i32
      %dma_wait3A_685 = arith.constant 7 : i32
      %dma_wait3A_686 = arith.constant 0 : i32
      %dma_wait3A_687 = arith.constant 0 : i32
      %dma_wait3A_688 = tpu.memref_slice %arg6[%dma_wait3A_685, %dma_wait3A_686, %dma_wait3A_687] : memref<8x50x128xf32, #tpu.memory_space<vmem>> -> memref<1x50x128xf32, #tpu.memory_space<vmem>>
      %dma_wait3A_689 = tpu.memref_squeeze %dma_wait3A_688 : memref<1x50x128xf32, #tpu.memory_space<vmem>> -> memref<50x128xf32, #tpu.memory_space<vmem>>
      %dma_wait3A_690 = arith.constant 0 : i32
      %dma_wait3A_691 = tpu.memref_slice %arg5[%dma_wait3A_684, %dma_wait3A_690] : memref<128x50xi32, #tpu.memory_space<vmem>> -> memref<1x50xi32, #tpu.memory_space<vmem>>
      %dma_wait3A_692 = tpu.memref_squeeze %dma_wait3A_691 : memref<1x50xi32, #tpu.memory_space<vmem>> -> memref<50xi32, #tpu.memory_space<vmem>>
      %dma_wait3A_693 = arith.constant 0 : i32
      %dma_wait3A_694 = arith.constant 0 : i32
      %dma_wait3A_695 = tpu.memref_slice %arg3[%dma_wait3A_693, %dma_wait3A_694] : memref<100000x128xf32, #tpu.memory_space<hbm>> -> memref<100000x128xf32, #tpu.memory_space<hbm>>
      tpu.wait_indirect_dma semaphore(%arg15 : memref<!tpu.dma_semaphore, #tpu.memory_space<semaphore_mem>>) src(%dma_wait3A_695 : memref<100000x128xf32, #tpu.memory_space<hbm>>) dst(%dma_wait3A_689 : memref<50x128xf32, #tpu.memory_space<vmem>>)
      %broadcast_in_dim3A_696 = arith.constant 0.000000e+00 : f32
      %broadcast_in_dim3A_697 = vector.broadcast %broadcast_in_dim3A_696 : f32 to vector<16xf32>
      %broadcast_in_dim3A_698 = arith.constant 0.000000e+00 : f32
      %broadcast_in_dim3A_699 = vector.broadcast %broadcast_in_dim3A_698 : f32 to vector<16xf32>
      %broadcast_in_dim3A_700 = arith.constant 0.000000e+00 : f32
      %broadcast_in_dim3A_701 = vector.broadcast %broadcast_in_dim3A_700 : f32 to vector<16xf32>
      %broadcast_in_dim3A_702 = arith.constant 0.000000e+00 : f32
      %broadcast_in_dim3A_703 = vector.broadcast %broadcast_in_dim3A_702 : f32 to vector<16xf32>
      %broadcast_in_dim3A_704 = arith.constant 0.000000e+00 : f32
      %broadcast_in_dim3A_705 = vector.broadcast %broadcast_in_dim3A_704 : f32 to vector<16xf32>
      %broadcast_in_dim3A_706 = arith.constant 0.000000e+00 : f32
      %broadcast_in_dim3A_707 = vector.broadcast %broadcast_in_dim3A_706 : f32 to vector<16xf32>
      %broadcast_in_dim3A_708 = arith.constant 0.000000e+00 : f32
      %broadcast_in_dim3A_709 = vector.broadcast %broadcast_in_dim3A_708 : f32 to vector<16xf32>
      %broadcast_in_dim3A_710 = arith.constant 0.000000e+00 : f32
      %broadcast_in_dim3A_711 = vector.broadcast %broadcast_in_dim3A_710 : f32 to vector<16xf32>
      %parallel_loop3A_712 = arith.constant 0 : i32
      %parallel_loop3A_713 = arith.constant 50 : i32
      %parallel_loop3A_714 = arith.constant 1 : i32
      %parallel_loop3A_715:8 = scf.for %parallel_loop3A_764 = %parallel_loop3A_712 to %parallel_loop3A_713 step %parallel_loop3A_714 iter_args(%parallel_loop3A_765 = %broadcast_in_dim3A_697, %parallel_loop3A_766 = %broadcast_in_dim3A_699, %parallel_loop3A_767 = %broadcast_in_dim3A_701, %parallel_loop3A_768 = %broadcast_in_dim3A_703, %parallel_loop3A_769 = %broadcast_in_dim3A_705, %parallel_loop3A_770 = %broadcast_in_dim3A_707, %parallel_loop3A_771 = %broadcast_in_dim3A_709, %parallel_loop3A_772 = %broadcast_in_dim3A_711) -> (vector<16xf32>, vector<16xf32>, vector<16xf32>, vector<16xf32>, vector<16xf32>, vector<16xf32>, vector<16xf32>, vector<16xf32>)  : i32 {
        %parallel_loop3A_773 = arith.constant 7 : i32
        %parallel_loop3A_774 = arith.index_cast %parallel_loop3A_773 : i32 to index
        %parallel_loop3A_775 = arith.index_cast %parallel_loop3A_764 : i32 to index
        %parallel_loop3A_776 = arith.constant 0 : index
        %parallel_loop3A_777 = tpu.vector_load %arg6[%parallel_loop3A_774, %parallel_loop3A_775, %parallel_loop3A_776] {strides = array<i32>} : memref<8x50x128xf32, #tpu.memory_space<vmem>>, vector<1x1x16xf32>,
        %parallel_loop3A_778 = vector.shape_cast %parallel_loop3A_777 : vector<1x1x16xf32> to vector<16xf32>
        %parallel_loop3A_779 = arith.addf %parallel_loop3A_765, %parallel_loop3A_778 : vector<16xf32>
        %parallel_loop3A_780 = arith.constant 7 : i32
        %parallel_loop3A_781 = arith.index_cast %parallel_loop3A_780 : i32 to index
        %parallel_loop3A_782 = arith.index_cast %parallel_loop3A_764 : i32 to index
        %parallel_loop3A_783 = arith.constant 16 : index
        %parallel_loop3A_784 = tpu.vector_load %arg6[%parallel_loop3A_781, %parallel_loop3A_782, %parallel_loop3A_783] {strides = array<i32>} : memref<8x50x128xf32, #tpu.memory_space<vmem>>, vector<1x1x16xf32>,
        %parallel_loop3A_785 = vector.shape_cast %parallel_loop3A_784 : vector<1x1x16xf32> to vector<16xf32>
        %parallel_loop3A_786 = arith.addf %parallel_loop3A_766, %parallel_loop3A_785 : vector<16xf32>
        %parallel_loop3A_787 = arith.constant 7 : i32
        %parallel_loop3A_788 = arith.index_cast %parallel_loop3A_787 : i32 to index
        %parallel_loop3A_789 = arith.index_cast %parallel_loop3A_764 : i32 to index
        %parallel_loop3A_790 = arith.constant 32 : index
        %parallel_loop3A_791 = tpu.vector_load %arg6[%parallel_loop3A_788, %parallel_loop3A_789, %parallel_loop3A_790] {strides = array<i32>} : memref<8x50x128xf32, #tpu.memory_space<vmem>>, vector<1x1x16xf32>,
        %parallel_loop3A_792 = vector.shape_cast %parallel_loop3A_791 : vector<1x1x16xf32> to vector<16xf32>
        %parallel_loop3A_793 = arith.addf %parallel_loop3A_767, %parallel_loop3A_792 : vector<16xf32>
        %parallel_loop3A_794 = arith.constant 7 : i32
        %parallel_loop3A_795 = arith.index_cast %parallel_loop3A_794 : i32 to index
        %parallel_loop3A_796 = arith.index_cast %parallel_loop3A_764 : i32 to index
        %parallel_loop3A_797 = arith.constant 48 : index
        %parallel_loop3A_798 = tpu.vector_load %arg6[%parallel_loop3A_795, %parallel_loop3A_796, %parallel_loop3A_797] {strides = array<i32>} : memref<8x50x128xf32, #tpu.memory_space<vmem>>, vector<1x1x16xf32>,
        %parallel_loop3A_799 = vector.shape_cast %parallel_loop3A_798 : vector<1x1x16xf32> to vector<16xf32>
        %parallel_loop3A_800 = arith.addf %parallel_loop3A_768, %parallel_loop3A_799 : vector<16xf32>
        %parallel_loop3A_801 = arith.constant 7 : i32
        %parallel_loop3A_802 = arith.index_cast %parallel_loop3A_801 : i32 to index
        %parallel_loop3A_803 = arith.index_cast %parallel_loop3A_764 : i32 to index
        %parallel_loop3A_804 = arith.constant 64 : index
        %parallel_loop3A_805 = tpu.vector_load %arg6[%parallel_loop3A_802, %parallel_loop3A_803, %parallel_loop3A_804] {strides = array<i32>} : memref<8x50x128xf32, #tpu.memory_space<vmem>>, vector<1x1x16xf32>,
        %parallel_loop3A_806 = vector.shape_cast %parallel_loop3A_805 : vector<1x1x16xf32> to vector<16xf32>
        %parallel_loop3A_807 = arith.addf %parallel_loop3A_769, %parallel_loop3A_806 : vector<16xf32>
        %parallel_loop3A_808 = arith.constant 7 : i32
        %parallel_loop3A_809 = arith.index_cast %parallel_loop3A_808 : i32 to index
        %parallel_loop3A_810 = arith.index_cast %parallel_loop3A_764 : i32 to index
        %parallel_loop3A_811 = arith.constant 80 : index
        %parallel_loop3A_812 = tpu.vector_load %arg6[%parallel_loop3A_809, %parallel_loop3A_810, %parallel_loop3A_811] {strides = array<i32>} : memref<8x50x128xf32, #tpu.memory_space<vmem>>, vector<1x1x16xf32>,
        %parallel_loop3A_813 = vector.shape_cast %parallel_loop3A_812 : vector<1x1x16xf32> to vector<16xf32>
        %parallel_loop3A_814 = arith.addf %parallel_loop3A_770, %parallel_loop3A_813 : vector<16xf32>
        %parallel_loop3A_815 = arith.constant 7 : i32
        %parallel_loop3A_816 = arith.index_cast %parallel_loop3A_815 : i32 to index
        %parallel_loop3A_817 = arith.index_cast %parallel_loop3A_764 : i32 to index
        %parallel_loop3A_818 = arith.constant 96 : index
        %parallel_loop3A_819 = tpu.vector_load %arg6[%parallel_loop3A_816, %parallel_loop3A_817, %parallel_loop3A_818] {strides = array<i32>} : memref<8x50x128xf32, #tpu.memory_space<vmem>>, vector<1x1x16xf32>,
        %parallel_loop3A_820 = vector.shape_cast %parallel_loop3A_819 : vector<1x1x16xf32> to vector<16xf32>
        %parallel_loop3A_821 = arith.addf %parallel_loop3A_771, %parallel_loop3A_820 : vector<16xf32>
        %parallel_loop3A_822 = arith.constant 7 : i32
        %parallel_loop3A_823 = arith.index_cast %parallel_loop3A_822 : i32 to index
        %parallel_loop3A_824 = arith.index_cast %parallel_loop3A_764 : i32 to index
        %parallel_loop3A_825 = arith.constant 112 : index
        %parallel_loop3A_826 = tpu.vector_load %arg6[%parallel_loop3A_823, %parallel_loop3A_824, %parallel_loop3A_825] {strides = array<i32>} : memref<8x50x128xf32, #tpu.memory_space<vmem>>, vector<1x1x16xf32>,
        %parallel_loop3A_827 = vector.shape_cast %parallel_loop3A_826 : vector<1x1x16xf32> to vector<16xf32>
        %parallel_loop3A_828 = arith.addf %parallel_loop3A_772, %parallel_loop3A_827 : vector<16xf32>
        scf.yield %parallel_loop3A_779, %parallel_loop3A_786, %parallel_loop3A_793, %parallel_loop3A_800, %parallel_loop3A_807, %parallel_loop3A_814, %parallel_loop3A_821, %parallel_loop3A_828 : vector<16xf32>, vector<16xf32>, vector<16xf32>, vector<16xf32>, vector<16xf32>, vector<16xf32>, vector<16xf32>, vector<16xf32>
      } {sc.loop_unroll_factor = 5 : i64, sc.parallel_access}
      %swap3A_716 = arith.index_cast %add3A_683 : i32 to index
      %swap3A_717 = arith.constant 0 : index
      %swap3A_718 = tpu.vector_load %arg7[%swap3A_716, %swap3A_717] {strides = array<i32>} : memref<128x128xf32, #tpu.memory_space<vmem>>, vector<1x16xf32>,
      %swap3A_719 = vector.shape_cast %swap3A_718 : vector<1x16xf32> to vector<16xf32>
      %swap3A_720 = vector.shape_cast %parallel_loop3A_715#0 : vector<16xf32> to vector<1x16xf32>
      tpu.vector_store %arg7[%swap3A_716, %swap3A_717], %swap3A_720 {strides = array<i32>} : memref<128x128xf32, #tpu.memory_space<vmem>>, vector<1x16xf32>,
      %swap3A_721 = arith.index_cast %add3A_683 : i32 to index
      %swap3A_722 = arith.constant 16 : index
      %swap3A_723 = tpu.vector_load %arg7[%swap3A_721, %swap3A_722] {strides = array<i32>} : memref<128x128xf32, #tpu.memory_space<vmem>>, vector<1x16xf32>,
      %swap3A_724 = vector.shape_cast %swap3A_723 : vector<1x16xf32> to vector<16xf32>
      %swap3A_725 = vector.shape_cast %parallel_loop3A_715#1 : vector<16xf32> to vector<1x16xf32>
      tpu.vector_store %arg7[%swap3A_721, %swap3A_722], %swap3A_725 {strides = array<i32>} : memref<128x128xf32, #tpu.memory_space<vmem>>, vector<1x16xf32>,
      %swap3A_726 = arith.index_cast %add3A_683 : i32 to index
      %swap3A_727 = arith.constant 32 : index
      %swap3A_728 = tpu.vector_load %arg7[%swap3A_726, %swap3A_727] {strides = array<i32>} : memref<128x128xf32, #tpu.memory_space<vmem>>, vector<1x16xf32>,
      %swap3A_729 = vector.shape_cast %swap3A_728 : vector<1x16xf32> to vector<16xf32>
      %swap3A_730 = vector.shape_cast %parallel_loop3A_715#2 : vector<16xf32> to vector<1x16xf32>
      tpu.vector_store %arg7[%swap3A_726, %swap3A_727], %swap3A_730 {strides = array<i32>} : memref<128x128xf32, #tpu.memory_space<vmem>>, vector<1x16xf32>,
      %swap3A_731 = arith.index_cast %add3A_683 : i32 to index
      %swap3A_732 = arith.constant 48 : index
      %swap3A_733 = tpu.vector_load %arg7[%swap3A_731, %swap3A_732] {strides = array<i32>} : memref<128x128xf32, #tpu.memory_space<vmem>>, vector<1x16xf32>,
      %swap3A_734 = vector.shape_cast %swap3A_733 : vector<1x16xf32> to vector<16xf32>
      %swap3A_735 = vector.shape_cast %parallel_loop3A_715#3 : vector<16xf32> to vector<1x16xf32>
      tpu.vector_store %arg7[%swap3A_731, %swap3A_732], %swap3A_735 {strides = array<i32>} : memref<128x128xf32, #tpu.memory_space<vmem>>, vector<1x16xf32>,
      %swap3A_736 = arith.index_cast %add3A_683 : i32 to index
      %swap3A_737 = arith.constant 64 : index
      %swap3A_738 = tpu.vector_load %arg7[%swap3A_736, %swap3A_737] {strides = array<i32>} : memref<128x128xf32, #tpu.memory_space<vmem>>, vector<1x16xf32>,
      %swap3A_739 = vector.shape_cast %swap3A_738 : vector<1x16xf32> to vector<16xf32>
      %swap3A_740 = vector.shape_cast %parallel_loop3A_715#4 : vector<16xf32> to vector<1x16xf32>
      tpu.vector_store %arg7[%swap3A_736, %swap3A_737], %swap3A_740 {strides = array<i32>} : memref<128x128xf32, #tpu.memory_space<vmem>>, vector<1x16xf32>,
      %swap3A_741 = arith.index_cast %add3A_683 : i32 to index
      %swap3A_742 = arith.constant 80 : index
      %swap3A_743 = tpu.vector_load %arg7[%swap3A_741, %swap3A_742] {strides = array<i32>} : memref<128x128xf32, #tpu.memory_space<vmem>>, vector<1x16xf32>,
      %swap3A_744 = vector.shape_cast %swap3A_743 : vector<1x16xf32> to vector<16xf32>
      %swap3A_745 = vector.shape_cast %parallel_loop3A_715#5 : vector<16xf32> to vector<1x16xf32>
      tpu.vector_store %arg7[%swap3A_741, %swap3A_742], %swap3A_745 {strides = array<i32>} : memref<128x128xf32, #tpu.memory_space<vmem>>, vector<1x16xf32>,
      %swap3A_746 = arith.index_cast %add3A_683 : i32 to index
      %swap3A_747 = arith.constant 96 : index
      %swap3A_748 = tpu.vector_load %arg7[%swap3A_746, %swap3A_747] {strides = array<i32>} : memref<128x128xf32, #tpu.memory_space<vmem>>, vector<1x16xf32>,
      %swap3A_749 = vector.shape_cast %swap3A_748 : vector<1x16xf32> to vector<16xf32>
      %swap3A_750 = vector.shape_cast %parallel_loop3A_715#6 : vector<16xf32> to vector<1x16xf32>
      tpu.vector_store %arg7[%swap3A_746, %swap3A_747], %swap3A_750 {strides = array<i32>} : memref<128x128xf32, #tpu.memory_space<vmem>>, vector<1x16xf32>,
      %swap3A_751 = arith.index_cast %add3A_683 : i32 to index
      %swap3A_752 = arith.constant 112 : index
      %swap3A_753 = tpu.vector_load %arg7[%swap3A_751, %swap3A_752] {strides = array<i32>} : memref<128x128xf32, #tpu.memory_space<vmem>>, vector<1x16xf32>,
      %swap3A_754 = vector.shape_cast %swap3A_753 : vector<1x16xf32> to vector<16xf32>
      %swap3A_755 = vector.shape_cast %parallel_loop3A_715#7 : vector<16xf32> to vector<1x16xf32>
      tpu.vector_store %arg7[%swap3A_751, %swap3A_752], %swap3A_755 {strides = array<i32>} : memref<128x128xf32, #tpu.memory_space<vmem>>, vector<1x16xf32>,
      %add3A_756 = arith.constant 8 : i32
      %add3A_757 = arith.addi %add3A_683, %add3A_756 : i32
      %lt3A_758 = arith.constant 128 : i32
      %lt3A_759 = arith.cmpi slt, %add3A_757, %lt3A_758 : i32
      %convert_element_type3A_760 = arith.extui %lt3A_759 : i1 to i32
      %cond3A_761 = arith.constant 0 : i32
      %cond3A_762 = arith.cmpi ne, %convert_element_type3A_760, %cond3A_761 : i32
      scf.if %cond3A_762 {
        %add3A_764 = arith.constant 8 : i32
        %add3A_765 = arith.addi %add3A_683, %add3A_764 : i32
        %dma_start3A_766 = arith.constant 7 : i32
        %dma_start3A_767 = arith.constant 0 : i32
        %dma_start3A_768 = arith.constant 0 : i32
        %dma_start3A_769 = tpu.memref_slice %arg6[%dma_start3A_766, %dma_start3A_767, %dma_start3A_768] : memref<8x50x128xf32, #tpu.memory_space<vmem>> -> memref<1x50x128xf32, #tpu.memory_space<vmem>>
        %dma_start3A_770 = tpu.memref_squeeze %dma_start3A_769 : memref<1x50x128xf32, #tpu.memory_space<vmem>> -> memref<50x128xf32, #tpu.memory_space<vmem>>
        %dma_start3A_771 = arith.constant 0 : i32
        %dma_start3A_772 = tpu.memref_slice %arg5[%add3A_765, %dma_start3A_771] : memref<128x50xi32, #tpu.memory_space<vmem>> -> memref<1x50xi32, #tpu.memory_space<vmem>>
        %dma_start3A_773 = tpu.memref_squeeze %dma_start3A_772 : memref<1x50xi32, #tpu.memory_space<vmem>> -> memref<50xi32, #tpu.memory_space<vmem>>
        %dma_start3A_774 = arith.constant 0 : i32
        %dma_start3A_775 = arith.constant 0 : i32
        %dma_start3A_776 = tpu.memref_slice %arg3[%dma_start3A_774, %dma_start3A_775] : memref<100000x128xf32, #tpu.memory_space<hbm>> -> memref<100000x128xf32, #tpu.memory_space<hbm>>
        tpu.enqueue_indirect_dma source(%dma_start3A_776 : memref<100000x128xf32, #tpu.memory_space<hbm>>) target(%dma_start3A_770 : memref<50x128xf32, #tpu.memory_space<vmem>>) offsets(%dma_start3A_773 : memref<50xi32, #tpu.memory_space<vmem>>) semaphore(%arg15 : memref<!tpu.dma_semaphore, #tpu.memory_space<semaphore_mem>>)
      } else {
      }
      %scan3A_763 = arith.constant 0 : i32
      scf.yield %scan3A_763 : i32
    }
    %scan3A_103 = arith.constant 16 : i32
    "tpu.region"() ({
      %run_scoped3A = tpu.sem_alloc : memref<!tpu.dma_semaphore, #tpu.memory_space<semaphore_mem>>
      %dma_start3A_104 = arith.constant 0 : i32
      %dma_start3A_105 = tpu.memref_slice %arg4[%mul3A_2, %dma_start3A_104] : memref<4096x128xf32, #tpu.memory_space<hbm>> -> memref<128x128xf32, #tpu.memory_space<hbm>>
      %dma_start3A_106 = arith.constant 0 : i32
      %dma_start3A_107 = tpu.memref_slice %arg4[%mul3A_2, %dma_start3A_106] : memref<4096x128xf32, #tpu.memory_space<hbm>> -> memref<128x128xf32, #tpu.memory_space<hbm>>
      tpu.enqueue_dma source(%arg7 : memref<128x128xf32, #tpu.memory_space<vmem>>) target(%dma_start3A_107 : memref<128x128xf32, #tpu.memory_space<hbm>>) target_semaphore(%run_scoped3A : memref<!tpu.dma_semaphore, #tpu.memory_space<semaphore_mem>>)
      %dma_wait3A = arith.constant 0 : i32
      %dma_wait3A_108 = tpu.memref_slice %arg4[%mul3A_2, %dma_wait3A] : memref<4096x128xf32, #tpu.memory_space<hbm>> -> memref<128x128xf32, #tpu.memory_space<hbm>>
      %dma_wait3A_109 = arith.constant 0 : i32
      %dma_wait3A_110 = tpu.memref_slice %arg4[%mul3A_2, %dma_wait3A_109] : memref<4096x128xf32, #tpu.memory_space<hbm>> -> memref<128x128xf32, #tpu.memory_space<hbm>>
      tpu.wait_dma2 semaphore(%run_scoped3A : memref<!tpu.dma_semaphore, #tpu.memory_space<semaphore_mem>>) src(%arg7 : memref<128x128xf32, #tpu.memory_space<vmem>>) dst(%dma_wait3A_110 : memref<128x128xf32, #tpu.memory_space<hbm>>)
      tpu.yield
    }) : () -> ()
    return
  }
}

module attributes {stable_mosaic.version = 14 : i64} {
  func.func @_cls_body(%arg0: i32, %arg1: memref<1024x128xf32, #tpu.memory_space<vmem>>, %arg2: memref<5x128xf32, #tpu.memory_space<vmem>>, %arg3: memref<1x5xf32, #tpu.memory_space<vmem>>, %arg4: memref<1024x5xf32, #tpu.memory_space<vmem>>) attributes {dimension_semantics = [#tpu.dimension_semantics<arbitrary>], iteration_bounds = array<i64: 4>, scalar_prefetch = 0 : i64, scratch_operands = 0 : i64, tpu.core_type = #tpu.core_type<tc>, window_params = [{transform_indices = @transform_0, window_bounds = array<i64: 1024, 128>}, {pipeline_mode = #tpu.pipeline_mode<synchronous>, transform_indices = @transform_1, window_bounds = array<i64: 5, 128>}, {pipeline_mode = #tpu.pipeline_mode<synchronous>, transform_indices = @transform_2, window_bounds = array<i64: 1, 5>}, {transform_indices = @transform_3, window_bounds = array<i64: 1024, 5>}]} {
    %get3A = arith.constant 0 : index
    %get3A_0 = arith.constant 0 : index
    %get3A_1 = vector.load %arg1[%get3A, %get3A_0] : memref<1024x128xf32, #tpu.memory_space<vmem>>, vector<1024x128xf32>
    %mul3A = arith.constant 2.000000e-02 : f32
    %mul3A_2 = vector.broadcast %mul3A : f32 to vector<1024x128xf32>
    %mul3A_3 = arith.mulf %get3A_1, %mul3A_2 : vector<1024x128xf32>
    %max3A = arith.constant 0.000000e+00 : f32
    %max3A_4 = vector.broadcast %max3A : f32 to vector<1024x128xf32>
    %max3A_5 = arith.maximumf %mul3A_3, %max3A_4 : vector<1024x128xf32>
    %get3A_6 = arith.constant 0 : index
    %get3A_7 = arith.constant 0 : index
    %get3A_8 = vector.load %arg2[%get3A_6, %get3A_7] : memref<5x128xf32, #tpu.memory_space<vmem>>, vector<5x128xf32>
    %dot_general3A = arith.constant dense<0.000000e+00> : vector<1024x5xf32>
    %dot_general3A_9 = tpu.matmul %max3A_5, %get3A_8, %dot_general3A {dimension_numbers = #tpu.dot_dimension_numbers<[1], [1], [0], [0], [0, 0, 1, 0], [], []>, transpose_lhs_hint = false} : vector<1024x128xf32>, vector<5x128xf32>, vector<1024x5xf32> -> vector<1024x5xf32>
    %get3A_10 = arith.constant 0 : index
    %get3A_11 = arith.constant 0 : index
    %get3A_12 = vector.load %arg3[%get3A_10, %get3A_11] : memref<1x5xf32, #tpu.memory_space<vmem>>, vector<1x5xf32>
    %add3A = vector.broadcast %get3A_12 : vector<1x5xf32> to vector<1024x5xf32>
    %add3A_13 = arith.addf %dot_general3A_9, %add3A : vector<1024x5xf32>
    %reduce_max3A = arith.constant dense<0xFF800000> : vector<1024xf32>
    %reduce_max3A_14 = vector.multi_reduction <maximumf>, %add3A_13, %reduce_max3A [1] : vector<1024x5xf32> to vector<1024xf32>
    %broadcast_in_dim3A = vector.shape_cast %reduce_max3A_14 : vector<1024xf32> to vector<1024x1xf32>
    %sub3A = vector.broadcast %broadcast_in_dim3A : vector<1024x1xf32> to vector<1024x5xf32>
    %sub3A_15 = arith.subf %add3A_13, %sub3A : vector<1024x5xf32>
    %exp3A = math.exp %sub3A_15 : vector<1024x5xf32>
    %reduce_sum3A = arith.constant dense<0.000000e+00> : vector<1024xf32>
    %reduce_sum3A_16 = vector.multi_reduction <add>, %exp3A, %reduce_sum3A [1] : vector<1024x5xf32> to vector<1024xf32>
    %broadcast_in_dim3A_17 = vector.shape_cast %reduce_sum3A_16 : vector<1024xf32> to vector<1024x1xf32>
    %log3A = math.log %broadcast_in_dim3A_17 : vector<1024x1xf32>
    %add3A_18 = arith.addf %log3A, %broadcast_in_dim3A : vector<1024x1xf32>
    %sub3A_19 = vector.broadcast %add3A_18 : vector<1024x1xf32> to vector<1024x5xf32>
    %sub3A_20 = arith.subf %add3A_13, %sub3A_19 : vector<1024x5xf32>
    %swap3A = arith.constant 0 : index
    %swap3A_21 = arith.constant 0 : index
    %swap3A_22 = vector.load %arg4[%swap3A, %swap3A_21] : memref<1024x5xf32, #tpu.memory_space<vmem>>, vector<1024x5xf32>
    tpu.vector_store %arg4[%swap3A, %swap3A_21], %sub3A_20 {strides = array<i32>} : memref<1024x5xf32, #tpu.memory_space<vmem>>, vector<1024x5xf32>,
    return
  }
  func.func @transform_0(%arg0: i32) -> (i32, i32) {
    %c0_i32 = arith.constant 0 : i32
    %c0_i32_0 = arith.constant 0 : i32
    return %arg0, %c0_i32 : i32, i32
  }
  func.func @transform_1(%arg0: i32) -> (i32, i32) {
    %c0_i32 = arith.constant 0 : i32
    %c0_i32_0 = arith.constant 0 : i32
    %c0_i32_1 = arith.constant 0 : i32
    return %c0_i32, %c0_i32_0 : i32, i32
  }
  func.func @transform_2(%arg0: i32) -> (i32, i32) {
    %c0_i32 = arith.constant 0 : i32
    %c0_i32_0 = arith.constant 0 : i32
    %c0_i32_1 = arith.constant 0 : i32
    return %c0_i32, %c0_i32_0 : i32, i32
  }
  func.func @transform_3(%arg0: i32) -> (i32, i32) {
    %c0_i32 = arith.constant 0 : i32
    %c0_i32_0 = arith.constant 0 : i32
    return %arg0, %c0_i32 : i32, i32
  }
}

</mosaic_0001>

<sc_bundles>
// kernel: kernel.4.cloned.1.call-start
scs
__scs_entry_jumppad:
0x0: {  	(pc) =	sbr.rel $0x88, $3  }
0x1: {  	(tag) =	ssettag $0x0;
	lr =	simm.s32 $0x1  }
0x2: {  	[smem:$0x3F9D] =	sst lr;
	_ =	strace $0xD0000000  }
0x3: {  	_ = 	snop  }
0x4: {  	_ = 	snop  }
0x5: {  	_ = 	snop  }
0x6: {  	_ = 	snop  }
0x7: {  	_ = 	snop  }
__scs_overlays_trampoline_lowered:
0x8: {  	[smem:$0x3FAC] =	sst s0  }
0x9: {  	[smem:$0x3FAD] =	sst s1  }
0xa: {  	[smem:$0x3FAE] =	sst s2  }
0xb: {  	[smem:$0x3FAF] =	sst s3  }
0xc: {  	[smem:$0x3FB0] =	sst s4  }
0xd: {  	[smem:$0x3FB1] =	sst s5  }
0xe: {  	[smem:$0x3FB2] =	sst s6  }
0xf: {  	[smem:$0x3FB3] =	sst s7  }
0x10: {  	[smem:$0x3FB4] =	sst s8  }
0x11: {  	[smem:$0x3FB5] =	sst s9;
	s0 =	simm.s32 @!p0 $0x0  }
0x12: {  	s1 =	sld [smem:$0x3F9B];
	s0 =	simm.s32 @p0 $0x1  }
0x13: {  	[smem:$0x3FB6] =	sst s0;
	s0 =	simm.s32 @!p1 $0x0  }
0x14: {  	s2 =	sld [smem:$0x3F9A];
	s0 =	simm.s32 @p1 $0x1  }
0x15: {  	[smem:$0x3FB7] =	sst s0;
	s0 =	simm.s32 @!p2 $0x0  }
0x16: {  	s3 =	sld [smem:$0x3FDB];
	s0 =	simm.s32 @p2 $0x1  }
0x17: {  	s4 =	simm.s32 $0x1BF5;
	[smem:$0x3FB9] =	sst s0  }
0x18: {  	s0 =	sld [smem:$0x3F9C];
	_ =	swait.ge [sflag:s4], $0x0  }
0x19: {  	s7 =	sld [smem:$0x3F9D]  }
0x1a: {  	s8 =	sadd.s32 $0xFFFFE003, lr  }
0x1b: {  	s9 =	sadd.s32 $0xFFFFFEF7, lr;
	s5 =	simm.s32 $0xFFFFFFFF;
	p2 =	slt.u32 s8, $0xFFFFF086  }
0x1c: {  	p1 =	slt.u32 s9, $0xF7A;
	s5 =	simm.s32 @!p2 $0x0  }
0x1d: {  	s5 =	simm.s32 @p1 $0x1;
	p0 =	seq.s32 s7, s2  }
0x1e: {  	s7 =	smul.u32 @!p0 $0xF7A, s2;
	p2 =	seq.s32 @!p0 s5, $0x0  }
0x1f: {  	s9 =	smul.u32 $0xF7A, s1;
	s8 =	simm.s32 @!p0 $0x1BF5;
	p2 =	por !p2, p0  }
0x20: {  	[sflag:s8] =	ssyncset.s32 @!p0 $0xFFFFF086;
	s6 =	sadd.s32 @!p0 s3, s7;
	s7 =	simm.s32 @!p0 $0x108  }
0x21: {  	s3 =	sadd.s32 s3, s9;
	s6 =	sadd.s32 @!p0 $0x88, s6;
	s7 =	simm.s32 @p2 $0x1082  }
0x22: {  	[simem:s7], [sflag:s8] =	dma.local @!p0 [hbm:s6], $0xF7A  }
0x23: {  	s9 =	sor.u32 $0xD0000000, s2;
	s6 =	simm.s32 $0x108;
	_ =	swait.ge @!p0 [sflag:s8], $0x0  }
0x24: {  	s3 =	sadd.s32 $0x88, s3;
	s6 =	simm.s32 @!p1 $0x1082;
	[sflag:s4] =	ssyncset.s32 $0xFFFFF086  }
0x25: {  	[simem:s6], [sflag:s4] =	dma.local [hbm:s3], $0xF7A  }
0x26: {  	[smem:$0x3F9D] =	sst s1;
	(tag) =	ssettag s2;
	_ =	strace s9  }
0x27: {  	s1 =	sld [smem:$0x3FAD]  }
0x28: {  	s2 =	sld [smem:$0x3FAE]  }
0x29: {  	s4 =	sld [smem:$0x3FB0]  }
0x2a: {  	p0 =	seq.s32 s5, $0x0;
	s5 =	sld [smem:$0x3FB1]  }
0x2b: {  	s6 =	sld [smem:$0x3FB2]  }
0x2c: {  	s7 =	sld [smem:$0x3FB3]  }
0x2d: {  	s3 =	simm.s32 $0x108;
	s8 =	sld [smem:$0x3FB4]  }
0x2e: {  	s3 =	simm.s32 @!p0 $0x1082;
	s9 =	sld [smem:$0x3FB5]  }
0x2f: {  	lr =	sadd.s32 s0, s3;
	s0 =	sld [smem:$0x3FAC]  }
0x30: {  	s3 =	sld [smem:$0x3FAF]  }
0x31: {  	[smem:$0x3FB8] =	sst s10  }
0x32: {  	s10 =	sld [smem:$0x3FB6];
	_ =	sdelay $0x3  }
0x33: {  	p0 =	seq.s32 s10, $0x1;
	s10 =	sld [smem:$0x3FB8];
	_ =	sdelay $0x3  }
0x34: {  	[smem:$0x3FB8] =	sst s10  }
0x35: {  	s10 =	sld [smem:$0x3FB7];
	_ =	sdelay $0x3  }
0x36: {  	p1 =	seq.s32 s10, $0x1;
	s10 =	sld [smem:$0x3FB8];
	_ =	sdelay $0x3  }
0x37: {  	[smem:$0x3FB8] =	sst s10  }
0x38: {  	s10 =	sld [smem:$0x3FB9]  }
0x39: {  	_ = 	snop;
	(pc) =	sbr.ind lr, $3  }
0x3a: {  	_ = 	snop  }
0x3b: {  	_ = 	snop  }
0x3c: {  	p2 =	seq.s32 s10, $0x1;
	s10 =	sld [smem:$0x3FB8]  }
0x3d: {  	_ =	shalt  }
0x3e: {  	_ =	shalt  }
0x3f: {  	_ =	shalt  }
0x40: {  	_ =	shalt  }
0x41: {  	_ =	shalt  }
0x42: {  	_ =	shalt  }
0x43: {  	_ =	shalt  }
0x44: {  	_ =	shalt  }
0x45: {  	_ =	shalt  }
0x46: {  	_ =	shalt  }
0x47: {  	_ =	shalt  }
0x48: {  	_ =	shalt  }
0x49: {  	_ =	shalt  }
0x4a: {  	_ =	shalt  }
0x4b: {  	_ =	shalt  }
0x4c: {  	_ =	shalt  }
0x4d: {  	_ =	shalt  }
0x4e: {  	_ =	shalt  }
0x4f: {  	_ =	shalt  }
0x50: {  	_ =	shalt  }
0x51: {  	_ =	shalt  }
0x52: {  	_ =	shalt  }
0x53: {  	_ =	shalt  }
0x54: {  	_ =	shalt  }
0x55: {  	_ =	shalt  }
0x56: {  	_ =	shalt  }
0x57: {  	_ =	shalt  }
0x58: {  	_ =	shalt  }
0x59: {  	_ =	shalt  }
0x5a: {  	_ =	shalt  }
0x5b: {  	_ =	shalt  }
0x5c: {  	_ =	shalt  }
0x5d: {  	_ =	shalt  }
0x5e: {  	_ =	shalt  }
0x5f: {  	_ =	shalt  }
0x60: {  	_ =	shalt  }
0x61: {  	_ =	shalt  }
0x62: {  	_ =	shalt  }
0x63: {  	_ =	shalt  }
0x64: {  	_ =	shalt  }
0x65: {  	_ =	shalt  }
0x66: {  	_ =	shalt  }
0x67: {  	_ =	shalt  }
0x68: {  	_ =	shalt  }
0x69: {  	_ =	shalt  }
0x6a: {  	_ =	shalt  }
0x6b: {  	_ =	shalt  }
0x6c: {  	_ =	shalt  }
0x6d: {  	_ =	shalt  }
0x6e: {  	_ =	shalt  }
0x6f: {  	_ =	shalt  }
0x70: {  	_ =	shalt  }
0x71: {  	_ =	shalt  }
0x72: {  	_ =	shalt  }
0x73: {  	_ =	shalt  }
0x74: {  	_ =	shalt  }
0x75: {  	_ =	shalt  }
0x76: {  	_ =	shalt  }
0x77: {  	_ =	shalt  }
0x78: {  	_ =	shalt  }
0x79: {  	_ =	shalt  }
0x7a: {  	_ =	shalt  }
0x7b: {  	_ =	shalt  }
0x7c: {  	_ =	shalt  }
0x7d: {  	_ =	shalt  }
0x7e: {  	_ =	shalt  }
0x7f: {  	_ =	shalt  }
0x80: {  	_ =	shalt  }
0x81: {  	_ =	shalt  }
0x82: {  	_ =	shalt  }
0x83: {  	_ =	shalt  }
0x84: {  	_ =	shalt  }
0x85: {  	_ =	shalt  }
0x86: {  	_ =	shalt  }
0x87: {  	_ =	shalt  }
.Lfunc_end0:
.L_simem_size_0:
called_computation_lowered:
.L_overlay_start_0:
0x88: {  	s2 =	sld [smem:$0x3FD9]  }
0x89: {  	s3 =	sld [smem:$0x3FFE];
	_ =	sdelay $0x1  }
0x8a: {  	s1 =	srdreg.scid  }
0x8b: {  	s0 =	sand.u32 $0x1, s1  }
0x8c: {  	s17 =	sshll.u32 s0, $0xA;
	s2 =	sadd.s32 s3, s2  }
0x8d: {  	s2 =	sadd.s32 s2, s17  }
0x8e: {  	[smem:$0x3FC4] =	sst s2  }
0x8f: {  	_ = 	snop  }
0x90: {  	s2 =	sld [smem:$0x3FC8];
	(tm) =	ssettm $0x1  }
0x91: {  	s18 =	sld [smem:$0x3FFB];
	_ =	sdelay $0x3  }
0x92: {  	_ =	strace s18  }
0x93: {  	s3 =	sld [smem:$0x3FFC];
	_ =	sdelay $0x3  }
0x94: {  	_ =	strace s3  }
0x95: {  	s3 =	sld [smem:$0x3FFD];
	_ =	sdelay $0x3  }
0x96: {  	_ =	strace s3  }
0x97: {  	_ =	strace $0x8FFFFFFF  }
0x98: {  	s19 =	sld [smem:$0x3FDB];
	_ =	sdelay $0x1  }
0x99: {  	s4 =	simm.s32 $_scs_section_size  }
0x9a: {  	s5 =	simm.s32 $_size__tile_overlayer_lowered;
	s6 =	simm.s32 $_tile_overlayer_lowered  }
0x9b: {  	s22 =	simm.s32 $0x1BFF;
	s21 =	sshll.u32 s6, $0x1;
	s3 =	sadd.s32 s4, s19  }
0x9c: {  	s7 =	simm.s32 $0x0;
	s20 =	sshll.u32 s5, $0x1;
	s5 =	sadd.s32 s21, s3  }
0x9d: {  	[timem:s7], [sflag:s22] =	dma.local [hbm:s5], s20  }
0x9e: {  	_ =	swait.ge [sflag:s22], s20  }
0x9f: {  	s4 =	ssub.s32 $0x0, s20;
	[sflag:s22] =	ssyncset.done $0x0  }
0xa0: {  	[sflag:s22] =	ssyncadd.s32 s4;
	_ =	sdelay $0x1  }
0xa1: {  	s23 =	simm.s32 $0x1B8B  }
0xa2: {  	_ =	swait.ge [sflag:s23], $0x1  }
0xa3: {  	[sflag:s23] =	ssyncset.done $0x0  }
0xa4: {  	s25 =	simm.s32 $0x1B8E;
	s24 =	sld [smem:$0x3FFE];
	[sflag:s23] =	ssyncadd.s32 $0xFFFFFFFF  }
0xa5: {  	s26 =	simm.s32 $execute0_lowered;
	[smem:$0x3FD2] =	sst s25  }
0xa6: {  	s5 =	sshll.u32 s26, $0x1;
	_ =	strace $0x80000046;
	[dreg:$0x1] =	wrdreg $0xFFFFFFFF  }
0xa7: {  	s28 =	simm.s32 $_size_execute0_lowered;
	s3 =	sadd.s32 s3, s5;
	[dreg:$0x0] =	wrdreg $0x0  }
0xa8: {  	s5 =	sshll.u32 s28, $0x1;
	[dreg:$0x2] =	wrdreg s3  }
0xa9: {  	[dreg:$0x3] =	wrdreg s5  }
0xaa: {  	[dreg:$0x4] =	wrdreg $0xC0  }
0xab: {  	_ =	task [dreg:s7], $0x5FFFF  }
0xac: {  	[dreg:$0x1] =	wrdreg $0xFFFFFFFF  }
0xad: {  	[dreg:$0x0] =	wrdreg $0x60  }
0xae: {  	[dreg:$0x2] =	wrdreg s24  }
0xaf: {  	[dreg:$0x3] =	wrdreg s2  }
0xb0: {  	[dreg:$0x4] =	wrdreg $0x9  }
0xb1: {  	_ =	task.clear_ibuf [dreg:s7], $0x5FFFF;
	_ =	strace $0x90000046  }
0xb2: {  	s29 =	simm.s32 $0x9;
	_ =	strace $0x80000048  }
0xb3: {  	_ =	swait.ge [sflag:s29], $0x1  }
0xb4: {  	[sflag:s29] =	ssyncadd.s32 $0xFFFFFFFF  }
0xb5: {  	_ =	strace $0x90000048  }
0xb6: {  	_ =	sfence  }
0xb7: {  	s30 =	sld [smem:$0x0];
	_ =	sdelay $0x2  }
0xb8: {  	s31 =	sshll.u32 s1, $0xD;
	s1 =	sshrl.u32 s1, $0x2  }
0xb9: {  	s3 =	sand.u32 $0x4000, s31;
	s1 =	sadd.s32 s1, s30  }
0xba: {  	s0 =	sor.u32 s3, s0;
	s1 =	sshll.u32 s1, $0x11  }
0xbb: {  	s0 =	sor.u32 s1, s0  }
0xbc: {  	s0 =	sadd.s32 $0x8F2B, s0  }
0xbd: {  	[sflag:s0] =	ssyncadd.remote.s32 $0x1  }
0xbe: {  	_ =	sfence.sel $0xFFFF  }
0xbf: {  	[dreg:$0x0] =	wrdreg $0xFFFFFFFF;
	(pc) =	sbr.abs _section_cstart, $3  }
0xc0: {  	[dreg:$0x1] =	wrdreg $0xFFFFFFFF  }
0xc1: {  	_ =	task.clear_ibuf [dreg:s7], $0x2FFFF;
	_ =	strace $0x9FFFFFFF  }
0xc2: {  	(tm) =	ssettm $0x7FFFFFFF  }
0xc3: {  	_ =	shalt  }
tec
execute0_lowered:
.L_overlay_start_1:
0x0: {  	(tag) =	ssettag $0x1  }
0x1: {  	s0 =	rddreg [dreg:$0x0]  }
0x2: {  	s2 =	rddreg [dreg:$0x1];
	s1 =	srdreg.scid  }
0x3: {  	s3 =	simm.s32 $0x0;
	s4 =	stileid.u32;
	s7 =	simm.s32 $0x9  }
0x4: {  	s8 =	simm.s32 $0x32;
	s16 =	simm.s32 $0x200;
	s17 =	simm.s32 $0xB000  }
0x5: {  	s18 =	simm.s32 $0x280;
	s19 =	simm.s32 $0xCC00;
	s20 =	simm.s32 $0x300  }
0x6: {  	s21 =	simm.s32 $0xE800;
	s22 =	simm.s32 $0x380;
	s23 =	simm.s32 $0x10400  }
0x7: {  	s24 =	simm.s32 $0x1;
	s25 =	simm.s32 $0x2;
	s28 =	simm.s32 $0x4  }
0x8: {  	s29 =	simm.s32 $0x5;
	s30 =	simm.s32 $0x6;
	s31 =	simm.s32 $0x7  }
0x9: {  	s9 =	simm.s32 $0x0;
	s1 =	sand.u32 $0x1, s1;
	s4 =	sshll.u32 s4, $0xC  }
.Ltmp0:
0xa: {  	s5 =	sshll.u32 s1, $0xB;
	s1 =	ssub.s32 $0x2, s1;
	(pc) =	sbr.rel .LBB2_1-.Ltmp0, $4  }
0xb: {  	[smem:$0x7FF] =	sst s3;
	s4 =	sor.u32 s5, s4;
	s26 =	sshrl.u32 s1, $0x1  }
0xc: {  	_ =	strace $0x80000047;
	s0 =	sadd.s32 s4, s0;
	s1 =	ssub.s32 s1, s26  }
0xd: {  	s26 =	simm.s32 $0x3;
	s4 =	sadd.s32 $0xA00, s0;
	s5 =	sadd.s32 $0x10A00, s0  }
0xe: {  	s6 =	smax.u32 s1, $0x1;
	s0 =	simm.s32 $0x8;
	s1 =	simm.s32 $0x12000  }
.LBB2_20:
0xf: {  	s9 =	sadd.s32 $0x1, s9  }
0x10: {  	p0 =	sne.s32 s9, s6  }
.Ltmp1:
0x11: {  	_ = 	snop;
	(pc) =	sbr.rel @!p0 .LBB2_21-.Ltmp1, $4  }
0x12: {  	[hbm4b:s5+s3] =	stream.linear.scatter [tilespmem:s1], [sflag:$0x9], $0x4000, $0x38;
	[tilespmem:$0x16000] =	vst v63  }
0x13: {  	_ =	swait.ge [sflag:s7], $0x4000  }
0x14: {  	[sflag:s7] =	ssyncset.done $0x0  }
0x15: {  	[sflag:s7] =	ssyncadd.s32 $0xFFFFC000  }
.LBB2_1:
0x16: {  	[tilespmem:s3], [sflag:$0x9] =	stream.linear.gather [hbm4b:s4+s3], $0x4000, $0x38;
	[tilespmem:$0x16000] =	vst v63  }
0x17: {  	_ =	swait.ge [sflag:s7], $0x4000  }
0x18: {  	[sflag:s7] =	ssyncset.done $0x0  }
0x19: {  	s10 =	simm.s32 $0x4000;
	[sflag:s7] =	ssyncadd.s32 $0xFFFFC000  }
0x1a: {  	[tilespmem:s10], [sflag:$0x1] =	stream.indirect.gather [hbm4b:s2+s8], $0x80, s3, s8, $0xb8;
	[tilespmem:$0x16000] =	vst v63  }
0x1b: {  	s15 =	simm.s32 $0x80;
	s11 =	simm.s32 $0x5C00  }
0x1c: {  	[tilespmem:s11], [sflag:$0x2] =	stream.indirect.gather [hbm4b:s2+s8], $0x80, s15, s8, $0xb8;
	[tilespmem:$0x16000] =	vst v63  }
0x1d: {  	s12 =	simm.s32 $0x100;
	s13 =	simm.s32 $0x7800  }
0x1e: {  	[tilespmem:s13], [sflag:$0x3] =	stream.indirect.gather [hbm4b:s2+s8], $0x80, s12, s8, $0xb8;
	[tilespmem:$0x16000] =	vst v63  }
0x1f: {  	s14 =	simm.s32 $0x180;
	s15 =	simm.s32 $0x9400  }
0x20: {  	[tilespmem:s15], [sflag:$0x4] =	stream.indirect.gather [hbm4b:s2+s8], $0x80, s14, s8, $0xb8;
	[tilespmem:$0x16000] =	vst v63  }
0x21: {  	_ = 	snop  }
0x22: {  	[tilespmem:s17], [sflag:$0x5] =	stream.indirect.gather [hbm4b:s2+s8], $0x80, s16, s8, $0xb8;
	[tilespmem:$0x16000] =	vst v63  }
0x23: {  	_ = 	snop  }
0x24: {  	[tilespmem:s19], [sflag:$0x6] =	stream.indirect.gather [hbm4b:s2+s8], $0x80, s18, s8, $0xb8;
	[tilespmem:$0x16000] =	vst v63  }
0x25: {  	_ = 	snop  }
0x26: {  	[tilespmem:s21], [sflag:$0x7] =	stream.indirect.gather [hbm4b:s2+s8], $0x80, s20, s8, $0xb8;
	[tilespmem:$0x16000] =	vst v63  }
0x27: {  	s10 =	simm.s32 $0x0  }
0x28: {  	[tilespmem:s23], [sflag:$0x8] =	stream.indirect.gather [hbm4b:s2+s8], $0x80, s22, s8, $0xb8;
	[tilespmem:$0x16000] =	vst v63  }
.LBB2_2:
0x29: {  	_ =	swait.ge [sflag:s24], $0x1900  }
0x2a: {  	[sflag:s24] =	ssyncset.done $0x0  }
0x2b: {  	s13 =	simm.s32 $0x0;
	[sflag:s24] =	ssyncadd.s32 $0xFFFFE700  }
0x2c: {  	v0 =	vld [tilespmem:s13+$0x4070]  }
0x2d: {  	v1 =	vld [tilespmem:s13+$0x4000]  }
0x2e: {  	v3 =	vld [tilespmem:s13+$0x4010]  }
0x2f: {  	v12 =	vld [tilespmem:s13+$0x4020]  }
0x30: {  	v10 =	vld [tilespmem:s13+$0x4030]  }
0x31: {  	v2 =	vimm.f32 $0.0e+00;
	v6 =	vimm.f32 $0.0e+00;
	v5 =	vld [tilespmem:s13+$0x4040]  }
0x32: {  	v7 =	vimm.f32 $0.0e+00;
	v8 =	vld [tilespmem:s13+$0x4050];
	v0 =	vadd.f32 v0, v2;
	v9 =	vadd.f32 v1, v2  }
0x33: {  	s11 =	simm.s32 $0x80;
	s12 =	simm.s32 $0x400;
	v11 =	vld [tilespmem:s13+$0x4060];
	v4 =	vadd.f32 v3, v2;
	v3 =	vimm.f32 $0.0e+00;
	v1 =	vimm.f32 $0.0e+00  }
.LBB2_3:
0x34: {  	p0 =	sne.s32 s12, $0x6200;
	v13 =	vld [tilespmem:s11+$0x4070];
	v2 =	vadd.f32 v12, v2  }
0x35: {  	v14 =	vld [tilespmem:s11+$0x4000];
	v6 =	vadd.f32 v10, v6  }
0x36: {  	v15 =	vld [tilespmem:s11+$0x4010];
	v7 =	vadd.f32 v5, v7  }
.Ltmp2:
0x37: {  	v12 =	vld [tilespmem:s11+$0x4020];
	v3 =	vadd.f32 v8, v3;
	(pc) =	sbr.rel @p0 .LBB2_3-.Ltmp2, $4  }
0x38: {  	v10 =	vld [tilespmem:s11+$0x4030];
	v1 =	vadd.f32 v11, v1  }
0x39: {  	v5 =	vld [tilespmem:s11+$0x4040];
	v0 =	vadd.f32 v13, v0  }
0x3a: {  	v9 =	vadd.f32 v14, v9;
	v8 =	vld [tilespmem:s11+$0x4050]  }
0x3b: {  	v4 =	vadd.f32 v15, v4;
	v11 =	vld [tilespmem:s11+$0x4060];
	s11 =	sshra.s32 s12, $0x2;
	s12 =	sadd.s32 $0x200, s12  }
0x3c: {  	v13 =	vld [tilespmem:s11+$0x4070]  }
0x3d: {  	v14 =	vld [tilespmem:s11+$0x4000]  }
0x3e: {  	v15 =	vld [tilespmem:s11+$0x4010]  }
0x3f: {  	v16 =	vld [tilespmem:s11+$0x4020]  }
0x40: {  	v17 =	vld [tilespmem:s11+$0x4030]  }
0x41: {  	v18 =	vld [tilespmem:s11+$0x4040];
	v2 =	vadd.f32 v12, v2  }
0x42: {  	s12 =	sshll.u32 s10, $0xC;
	v6 =	vadd.f32 v10, v6;
	v10 =	vld [tilespmem:s11+$0x4060];
	v9 =	vadd.f32 v14, v9  }
0x43: {  	v12 =	vld [tilespmem:s11+$0x4050];
	s11 =	sshrl.u32 s12, $0x2;
	v4 =	vadd.f32 v15, v4  }
0x44: {  	v2 =	vadd.f32 v16, v2;
	[tilespmem:s11+$0x12000] =	vst v9  }
0x45: {  	v1 =	vadd.f32 v11, v1;
	v6 =	vadd.f32 v17, v6;
	[tilespmem:s11+$0x12010] =	vst v4  }
0x46: {  	v5 =	vadd.f32 v5, v7;
	v0 =	vadd.f32 v13, v0;
	[tilespmem:s11+$0x12020] =	vst v2  }
0x47: {  	v3 =	vadd.f32 v8, v3;
	v1 =	vadd.f32 v10, v1;
	[tilespmem:s11+$0x12030] =	vst v6  }
0x48: {  	v4 =	vadd.f32 v18, v5;
	[tilespmem:s11+$0x12070] =	vst v0  }
0x49: {  	p0 =	seq.s32 s10, $0xF;
	v2 =	vadd.f32 v12, v3;
	[tilespmem:s11+$0x12060] =	vst v1  }
0x4a: {  	s12 =	sshrl.u32 @!p0 s12, $0x2;
	[tilespmem:s11+$0x12040] =	vst v4  }
0x4b: {  	s14 =	simm.s32 @!p0 $0x32;
	s15 =	simm.s32 @!p0 $0x4000;
	s13 =	sadd.s32 @!p0 $0x400, s12;
	[tilespmem:s11+$0x12050] =	vst v2  }
0x4c: {  	[tilespmem:s15], [sflag:$0x1] =	stream.indirect.gather @!p0 [hbm4b:s2+s14], $0x80, s13, s14, $0xb8;
	[tilespmem:$0x16000] =	vst v63  }
0x4d: {  	_ =	swait.ge [sflag:s25], $0x1900  }
0x4e: {  	[sflag:s25] =	ssyncset.done $0x0  }
0x4f: {  	s15 =	simm.s32 $0x0;
	[sflag:s25] =	ssyncadd.s32 $0xFFFFE700  }
0x50: {  	v0 =	vld [tilespmem:s15+$0x5C70]  }
0x51: {  	v2 =	vld [tilespmem:s15+$0x5C00]  }
0x52: {  	v3 =	vld [tilespmem:s15+$0x5C10]  }
0x53: {  	v11 =	vld [tilespmem:s15+$0x5C20]  }
0x54: {  	v10 =	vld [tilespmem:s15+$0x5C30]  }
0x55: {  	v8 =	vimm.f32 $0.0e+00;
	v1 =	vimm.f32 $0.0e+00;
	v7 =	vld [tilespmem:s15+$0x5C40]  }
0x56: {  	v6 =	vimm.f32 $0.0e+00;
	v4 =	vimm.f32 $0.0e+00;
	v9 =	vld [tilespmem:s15+$0x5C50];
	v0 =	vadd.f32 v0, v1  }
0x57: {  	s13 =	simm.s32 $0x80;
	s14 =	simm.s32 $0x400;
	v12 =	vld [tilespmem:s15+$0x5C60];
	v5 =	vadd.f32 v2, v1;
	v3 =	vadd.f32 v3, v1;
	v2 =	vimm.f32 $0.0e+00  }
.LBB2_5:
0x58: {  	p1 =	sne.s32 s14, $0x6200;
	v13 =	vld [tilespmem:s13+$0x5C70];
	v1 =	vadd.f32 v11, v1  }
0x59: {  	v14 =	vld [tilespmem:s13+$0x5C00];
	v6 =	vadd.f32 v10, v6  }
0x5a: {  	v15 =	vld [tilespmem:s13+$0x5C10];
	v8 =	vadd.f32 v7, v8  }
.Ltmp3:
0x5b: {  	v11 =	vld [tilespmem:s13+$0x5C20];
	v4 =	vadd.f32 v9, v4;
	(pc) =	sbr.rel @p1 .LBB2_5-.Ltmp3, $4  }
0x5c: {  	v10 =	vld [tilespmem:s13+$0x5C30];
	v2 =	vadd.f32 v12, v2  }
0x5d: {  	v7 =	vld [tilespmem:s13+$0x5C40];
	v0 =	vadd.f32 v13, v0  }
0x5e: {  	v5 =	vadd.f32 v14, v5;
	v9 =	vld [tilespmem:s13+$0x5C50]  }
0x5f: {  	v3 =	vadd.f32 v15, v3;
	v12 =	vld [tilespmem:s13+$0x5C60];
	s13 =	sshra.s32 s14, $0x2;
	s14 =	sadd.s32 $0x200, s14  }
0x60: {  	v14 =	vld [tilespmem:s13+$0x5C00]  }
0x61: {  	v15 =	vld [tilespmem:s13+$0x5C10]  }
0x62: {  	v16 =	vld [tilespmem:s13+$0x5C20]  }
0x63: {  	v13 =	vld [tilespmem:s13+$0x5C70]  }
0x64: {  	v6 =	vadd.f32 v10, v6;
	v10 =	vld [tilespmem:s13+$0x5C60]  }
0x65: {  	v17 =	vld [tilespmem:s13+$0x5C30];
	v1 =	vadd.f32 v11, v1;
	v5 =	vadd.f32 v14, v5  }
0x66: {  	v18 =	vld [tilespmem:s13+$0x5C40];
	v3 =	vadd.f32 v15, v3  }
0x67: {  	v11 =	vld [tilespmem:s13+$0x5C50];
	v2 =	vadd.f32 v12, v2;
	v1 =	vadd.f32 v16, v1;
	[tilespmem:s11+$0x12080] =	vst v5  }
0x68: {  	v0 =	vadd.f32 v13, v0;
	[tilespmem:s11+$0x12090] =	vst v3  }
0x69: {  	v7 =	vadd.f32 v7, v8;
	v2 =	vadd.f32 v10, v2;
	[tilespmem:s11+$0x120A0] =	vst v1  }
0x6a: {  	v4 =	vadd.f32 v9, v4;
	v5 =	vadd.f32 v17, v6;
	[tilespmem:s11+$0x120F0] =	vst v0  }
0x6b: {  	v3 =	vadd.f32 v18, v7;
	[tilespmem:s11+$0x120E0] =	vst v2  }
0x6c: {  	v1 =	vadd.f32 v11, v4;
	[tilespmem:s11+$0x120B0] =	vst v5  }
0x6d: {  	[tilespmem:s11+$0x120C0] =	vst v3  }
0x6e: {  	s14 =	simm.s32 @!p0 $0x32;
	s15 =	simm.s32 @!p0 $0x5C00;
	s13 =	sadd.s32 @!p0 $0x480, s12;
	[tilespmem:s11+$0x120D0] =	vst v1  }
0x6f: {  	[tilespmem:s15], [sflag:$0x2] =	stream.indirect.gather @!p0 [hbm4b:s2+s14], $0x80, s13, s14, $0xb8;
	[tilespmem:$0x16000] =	vst v63  }
0x70: {  	_ =	swait.ge [sflag:s26], $0x1900  }
0x71: {  	[sflag:s26] =	ssyncset.done $0x0  }
0x72: {  	s15 =	simm.s32 $0x0;
	[sflag:s26] =	ssyncadd.s32 $0xFFFFE700  }
0x73: {  	v0 =	vld [tilespmem:s15+$0x7870]  }
0x74: {  	v2 =	vld [tilespmem:s15+$0x7800]  }
0x75: {  	v3 =	vld [tilespmem:s15+$0x7810]  }
0x76: {  	v11 =	vld [tilespmem:s15+$0x7820]  }
0x77: {  	v10 =	vld [tilespmem:s15+$0x7830]  }
0x78: {  	v8 =	vimm.f32 $0.0e+00;
	v1 =	vimm.f32 $0.0e+00;
	v7 =	vld [tilespmem:s15+$0x7840]  }
0x79: {  	v6 =	vimm.f32 $0.0e+00;
	v4 =	vimm.f32 $0.0e+00;
	v9 =	vld [tilespmem:s15+$0x7850];
	v0 =	vadd.f32 v0, v1  }
0x7a: {  	s13 =	simm.s32 $0x80;
	s14 =	simm.s32 $0x400;
	v12 =	vld [tilespmem:s15+$0x7860];
	v5 =	vadd.f32 v2, v1;
	v3 =	vadd.f32 v3, v1;
	v2 =	vimm.f32 $0.0e+00  }
.LBB2_7:
0x7b: {  	p1 =	sne.s32 s14, $0x6200;
	v13 =	vld [tilespmem:s13+$0x7870];
	v1 =	vadd.f32 v11, v1  }
0x7c: {  	v14 =	vld [tilespmem:s13+$0x7800];
	v6 =	vadd.f32 v10, v6  }
0x7d: {  	v15 =	vld [tilespmem:s13+$0x7810];
	v8 =	vadd.f32 v7, v8  }
.Ltmp4:
0x7e: {  	v11 =	vld [tilespmem:s13+$0x7820];
	v4 =	vadd.f32 v9, v4;
	(pc) =	sbr.rel @p1 .LBB2_7-.Ltmp4, $4  }
0x7f: {  	v10 =	vld [tilespmem:s13+$0x7830];
	v2 =	vadd.f32 v12, v2  }
0x80: {  	v7 =	vld [tilespmem:s13+$0x7840];
	v0 =	vadd.f32 v13, v0  }
0x81: {  	v5 =	vadd.f32 v14, v5;
	v9 =	vld [tilespmem:s13+$0x7850]  }
0x82: {  	v3 =	vadd.f32 v15, v3;
	v12 =	vld [tilespmem:s13+$0x7860];
	s13 =	sshra.s32 s14, $0x2;
	s14 =	sadd.s32 $0x200, s14  }
0x83: {  	v14 =	vld [tilespmem:s13+$0x7800]  }
0x84: {  	v15 =	vld [tilespmem:s13+$0x7810]  }
0x85: {  	v16 =	vld [tilespmem:s13+$0x7820]  }
0x86: {  	v13 =	vld [tilespmem:s13+$0x7870]  }
0x87: {  	v6 =	vadd.f32 v10, v6;
	v10 =	vld [tilespmem:s13+$0x7860]  }
0x88: {  	v17 =	vld [tilespmem:s13+$0x7830];
	v1 =	vadd.f32 v11, v1;
	v5 =	vadd.f32 v14, v5  }
0x89: {  	v18 =	vld [tilespmem:s13+$0x7840];
	v3 =	vadd.f32 v15, v3  }
0x8a: {  	v11 =	vld [tilespmem:s13+$0x7850];
	v2 =	vadd.f32 v12, v2;
	v1 =	vadd.f32 v16, v1;
	[tilespmem:s11+$0x12100] =	vst v5  }
0x8b: {  	v0 =	vadd.f32 v13, v0;
	[tilespmem:s11+$0x12110] =	vst v3  }
0x8c: {  	v7 =	vadd.f32 v7, v8;
	v2 =	vadd.f32 v10, v2;
	[tilespmem:s11+$0x12120] =	vst v1  }
0x8d: {  	v4 =	vadd.f32 v9, v4;
	v5 =	vadd.f32 v17, v6;
	[tilespmem:s11+$0x12170] =	vst v0  }
0x8e: {  	v3 =	vadd.f32 v18, v7;
	[tilespmem:s11+$0x12160] =	vst v2  }
0x8f: {  	v1 =	vadd.f32 v11, v4;
	[tilespmem:s11+$0x12130] =	vst v5  }
0x90: {  	[tilespmem:s11+$0x12140] =	vst v3  }
0x91: {  	s14 =	simm.s32 @!p0 $0x32;
	s15 =	simm.s32 @!p0 $0x7800;
	s13 =	sadd.s32 @!p0 $0x500, s12;
	[tilespmem:s11+$0x12150] =	vst v1  }
0x92: {  	[tilespmem:s15], [sflag:$0x3] =	stream.indirect.gather @!p0 [hbm4b:s2+s14], $0x80, s13, s14, $0xb8;
	[tilespmem:$0x16000] =	vst v63  }
0x93: {  	_ =	swait.ge [sflag:s28], $0x1900  }
0x94: {  	[sflag:s28] =	ssyncset.done $0x0  }
0x95: {  	s15 =	simm.s32 $0x0;
	[sflag:s28] =	ssyncadd.s32 $0xFFFFE700  }
0x96: {  	v0 =	vld [tilespmem:s15+$0x9470]  }
0x97: {  	v2 =	vld [tilespmem:s15+$0x9400]  }
0x98: {  	v3 =	vld [tilespmem:s15+$0x9410]  }
0x99: {  	v11 =	vld [tilespmem:s15+$0x9420]  }
0x9a: {  	v10 =	vld [tilespmem:s15+$0x9430]  }
0x9b: {  	v8 =	vimm.f32 $0.0e+00;
	v1 =	vimm.f32 $0.0e+00;
	v7 =	vld [tilespmem:s15+$0x9440]  }
0x9c: {  	v6 =	vimm.f32 $0.0e+00;
	v4 =	vimm.f32 $0.0e+00;
	v9 =	vld [tilespmem:s15+$0x9450];
	v0 =	vadd.f32 v0, v1  }
0x9d: {  	s13 =	simm.s32 $0x80;
	s14 =	simm.s32 $0x400;
	v12 =	vld [tilespmem:s15+$0x9460];
	v5 =	vadd.f32 v2, v1;
	v3 =	vadd.f32 v3, v1;
	v2 =	vimm.f32 $0.0e+00  }
.LBB2_9:
0x9e: {  	p1 =	sne.s32 s14, $0x6200;
	v13 =	vld [tilespmem:s13+$0x9470];
	v1 =	vadd.f32 v11, v1  }
0x9f: {  	v14 =	vld [tilespmem:s13+$0x9400];
	v6 =	vadd.f32 v10, v6  }
0xa0: {  	v15 =	vld [tilespmem:s13+$0x9410];
	v8 =	vadd.f32 v7, v8  }
.Ltmp5:
0xa1: {  	v11 =	vld [tilespmem:s13+$0x9420];
	v4 =	vadd.f32 v9, v4;
	(pc) =	sbr.rel @p1 .LBB2_9-.Ltmp5, $4  }
0xa2: {  	v10 =	vld [tilespmem:s13+$0x9430];
	v2 =	vadd.f32 v12, v2  }
0xa3: {  	v7 =	vld [tilespmem:s13+$0x9440];
	v0 =	vadd.f32 v13, v0  }
0xa4: {  	v5 =	vadd.f32 v14, v5;
	v9 =	vld [tilespmem:s13+$0x9450]  }
0xa5: {  	v3 =	vadd.f32 v15, v3;
	v12 =	vld [tilespmem:s13+$0x9460];
	s13 =	sshra.s32 s14, $0x2;
	s14 =	sadd.s32 $0x200, s14  }
0xa6: {  	v14 =	vld [tilespmem:s13+$0x9400]  }
0xa7: {  	v15 =	vld [tilespmem:s13+$0x9410]  }
0xa8: {  	v16 =	vld [tilespmem:s13+$0x9420]  }
0xa9: {  	v13 =	vld [tilespmem:s13+$0x9470]  }
0xaa: {  	v6 =	vadd.f32 v10, v6;
	v10 =	vld [tilespmem:s13+$0x9460]  }
0xab: {  	v17 =	vld [tilespmem:s13+$0x9430];
	v1 =	vadd.f32 v11, v1;
	v5 =	vadd.f32 v14, v5  }
0xac: {  	v18 =	vld [tilespmem:s13+$0x9440];
	v3 =	vadd.f32 v15, v3  }
0xad: {  	v11 =	vld [tilespmem:s13+$0x9450];
	v2 =	vadd.f32 v12, v2;
	v1 =	vadd.f32 v16, v1;
	[tilespmem:s11+$0x12180] =	vst v5  }
0xae: {  	v0 =	vadd.f32 v13, v0;
	[tilespmem:s11+$0x12190] =	vst v3  }
0xaf: {  	v7 =	vadd.f32 v7, v8;
	v2 =	vadd.f32 v10, v2;
	[tilespmem:s11+$0x121A0] =	vst v1  }
0xb0: {  	v4 =	vadd.f32 v9, v4;
	v5 =	vadd.f32 v17, v6;
	[tilespmem:s11+$0x121F0] =	vst v0  }
0xb1: {  	v3 =	vadd.f32 v18, v7;
	[tilespmem:s11+$0x121E0] =	vst v2  }
0xb2: {  	v1 =	vadd.f32 v11, v4;
	[tilespmem:s11+$0x121B0] =	vst v5  }
0xb3: {  	[tilespmem:s11+$0x121C0] =	vst v3  }
0xb4: {  	s14 =	simm.s32 @!p0 $0x32;
	s15 =	simm.s32 @!p0 $0x9400;
	s13 =	sadd.s32 @!p0 $0x580, s12;
	[tilespmem:s11+$0x121D0] =	vst v1  }
0xb5: {  	[tilespmem:s15], [sflag:$0x4] =	stream.indirect.gather @!p0 [hbm4b:s2+s14], $0x80, s13, s14, $0xb8;
	[tilespmem:$0x16000] =	vst v63  }
0xb6: {  	_ =	swait.ge [sflag:s29], $0x1900  }
0xb7: {  	[sflag:s29] =	ssyncset.done $0x0  }
0xb8: {  	s15 =	simm.s32 $0x0;
	[sflag:s29] =	ssyncadd.s32 $0xFFFFE700  }
0xb9: {  	v0 =	vld [tilespmem:s15+$0xB070]  }
0xba: {  	v2 =	vld [tilespmem:s15+$0xB000]  }
0xbb: {  	v3 =	vld [tilespmem:s15+$0xB010]  }
0xbc: {  	v11 =	vld [tilespmem:s15+$0xB020]  }
0xbd: {  	v10 =	vld [tilespmem:s15+$0xB030]  }
0xbe: {  	v8 =	vimm.f32 $0.0e+00;
	v1 =	vimm.f32 $0.0e+00;
	v7 =	vld [tilespmem:s15+$0xB040]  }
0xbf: {  	v6 =	vimm.f32 $0.0e+00;
	v4 =	vimm.f32 $0.0e+00;
	v9 =	vld [tilespmem:s15+$0xB050];
	v0 =	vadd.f32 v0, v1  }
0xc0: {  	s13 =	simm.s32 $0x80;
	s14 =	simm.s32 $0x400;
	v12 =	vld [tilespmem:s15+$0xB060];
	v5 =	vadd.f32 v2, v1;
	v3 =	vadd.f32 v3, v1;
	v2 =	vimm.f32 $0.0e+00  }
.LBB2_11:
0xc1: {  	p1 =	sne.s32 s14, $0x6200;
	v13 =	vld [tilespmem:s13+$0xB070];
	v1 =	vadd.f32 v11, v1  }
0xc2: {  	v14 =	vld [tilespmem:s13+$0xB000];
	v6 =	vadd.f32 v10, v6  }
0xc3: {  	v15 =	vld [tilespmem:s13+$0xB010];
	v8 =	vadd.f32 v7, v8  }
.Ltmp6:
0xc4: {  	v11 =	vld [tilespmem:s13+$0xB020];
	v4 =	vadd.f32 v9, v4;
	(pc) =	sbr.rel @p1 .LBB2_11-.Ltmp6, $4  }
0xc5: {  	v10 =	vld [tilespmem:s13+$0xB030];
	v2 =	vadd.f32 v12, v2  }
0xc6: {  	v7 =	vld [tilespmem:s13+$0xB040];
	v0 =	vadd.f32 v13, v0  }
0xc7: {  	v5 =	vadd.f32 v14, v5;
	v9 =	vld [tilespmem:s13+$0xB050]  }
0xc8: {  	v3 =	vadd.f32 v15, v3;
	v12 =	vld [tilespmem:s13+$0xB060];
	s13 =	sshra.s32 s14, $0x2;
	s14 =	sadd.s32 $0x200, s14  }
0xc9: {  	v14 =	vld [tilespmem:s13+$0xB000]  }
0xca: {  	v15 =	vld [tilespmem:s13+$0xB010]  }
0xcb: {  	v16 =	vld [tilespmem:s13+$0xB020]  }
0xcc: {  	v13 =	vld [tilespmem:s13+$0xB070]  }
0xcd: {  	v6 =	vadd.f32 v10, v6;
	v10 =	vld [tilespmem:s13+$0xB060]  }
0xce: {  	v17 =	vld [tilespmem:s13+$0xB030];
	v1 =	vadd.f32 v11, v1;
	v5 =	vadd.f32 v14, v5  }
0xcf: {  	v18 =	vld [tilespmem:s13+$0xB040];
	v3 =	vadd.f32 v15, v3  }
0xd0: {  	v11 =	vld [tilespmem:s13+$0xB050];
	v2 =	vadd.f32 v12, v2;
	v1 =	vadd.f32 v16, v1;
	[tilespmem:s11+$0x12200] =	vst v5  }
0xd1: {  	v0 =	vadd.f32 v13, v0;
	[tilespmem:s11+$0x12210] =	vst v3  }
0xd2: {  	v7 =	vadd.f32 v7, v8;
	v2 =	vadd.f32 v10, v2;
	[tilespmem:s11+$0x12220] =	vst v1  }
0xd3: {  	v4 =	vadd.f32 v9, v4;
	v5 =	vadd.f32 v17, v6;
	[tilespmem:s11+$0x12270] =	vst v0  }
0xd4: {  	v3 =	vadd.f32 v18, v7;
	[tilespmem:s11+$0x12260] =	vst v2  }
0xd5: {  	v1 =	vadd.f32 v11, v4;
	[tilespmem:s11+$0x12230] =	vst v5  }
0xd6: {  	[tilespmem:s11+$0x12240] =	vst v3  }
0xd7: {  	s14 =	simm.s32 @!p0 $0x32;
	s15 =	simm.s32 @!p0 $0xB000;
	s13 =	sadd.s32 @!p0 $0x600, s12;
	[tilespmem:s11+$0x12250] =	vst v1  }
0xd8: {  	[tilespmem:s15], [sflag:$0x5] =	stream.indirect.gather @!p0 [hbm4b:s2+s14], $0x80, s13, s14, $0xb8;
	[tilespmem:$0x16000] =	vst v63  }
0xd9: {  	_ =	swait.ge [sflag:s30], $0x1900  }
0xda: {  	[sflag:s30] =	ssyncset.done $0x0  }
0xdb: {  	s15 =	simm.s32 $0x0;
	[sflag:s30] =	ssyncadd.s32 $0xFFFFE700  }
0xdc: {  	v0 =	vld [tilespmem:s15+$0xCC70]  }
0xdd: {  	v2 =	vld [tilespmem:s15+$0xCC00]  }
0xde: {  	v3 =	vld [tilespmem:s15+$0xCC10]  }
0xdf: {  	v11 =	vld [tilespmem:s15+$0xCC20]  }
0xe0: {  	v10 =	vld [tilespmem:s15+$0xCC30]  }
0xe1: {  	v8 =	vimm.f32 $0.0e+00;
	v1 =	vimm.f32 $0.0e+00;
	v7 =	vld [tilespmem:s15+$0xCC40]  }
0xe2: {  	v6 =	vimm.f32 $0.0e+00;
	v4 =	vimm.f32 $0.0e+00;
	v9 =	vld [tilespmem:s15+$0xCC50];
	v0 =	vadd.f32 v0, v1  }
0xe3: {  	s13 =	simm.s32 $0x80;
	s14 =	simm.s32 $0x400;
	v12 =	vld [tilespmem:s15+$0xCC60];
	v5 =	vadd.f32 v2, v1;
	v3 =	vadd.f32 v3, v1;
	v2 =	vimm.f32 $0.0e+00  }
.LBB2_13:
0xe4: {  	p1 =	sne.s32 s14, $0x6200;
	v13 =	vld [tilespmem:s13+$0xCC70];
	v1 =	vadd.f32 v11, v1  }
0xe5: {  	v14 =	vld [tilespmem:s13+$0xCC00];
	v6 =	vadd.f32 v10, v6  }
0xe6: {  	v15 =	vld [tilespmem:s13+$0xCC10];
	v8 =	vadd.f32 v7, v8  }
.Ltmp7:
0xe7: {  	v11 =	vld [tilespmem:s13+$0xCC20];
	v4 =	vadd.f32 v9, v4;
	(pc) =	sbr.rel @p1 .LBB2_13-.Ltmp7, $4  }
0xe8: {  	v10 =	vld [tilespmem:s13+$0xCC30];
	v2 =	vadd.f32 v12, v2  }
0xe9: {  	v7 =	vld [tilespmem:s13+$0xCC40];
	v0 =	vadd.f32 v13, v0  }
0xea: {  	v5 =	vadd.f32 v14, v5;
	v9 =	vld [tilespmem:s13+$0xCC50]  }
0xeb: {  	v3 =	vadd.f32 v15, v3;
	v12 =	vld [tilespmem:s13+$0xCC60];
	s13 =	sshra.s32 s14, $0x2;
	s14 =	sadd.s32 $0x200, s14  }
0xec: {  	v14 =	vld [tilespmem:s13+$0xCC00]  }
0xed: {  	v15 =	vld [tilespmem:s13+$0xCC10]  }
0xee: {  	v16 =	vld [tilespmem:s13+$0xCC20]  }
0xef: {  	v13 =	vld [tilespmem:s13+$0xCC70]  }
0xf0: {  	v6 =	vadd.f32 v10, v6;
	v10 =	vld [tilespmem:s13+$0xCC60]  }
0xf1: {  	v17 =	vld [tilespmem:s13+$0xCC30];
	v1 =	vadd.f32 v11, v1;
	v5 =	vadd.f32 v14, v5  }
0xf2: {  	v18 =	vld [tilespmem:s13+$0xCC40];
	v3 =	vadd.f32 v15, v3  }
0xf3: {  	v11 =	vld [tilespmem:s13+$0xCC50];
	v2 =	vadd.f32 v12, v2;
	v1 =	vadd.f32 v16, v1;
	[tilespmem:s11+$0x12280] =	vst v5  }
0xf4: {  	v0 =	vadd.f32 v13, v0;
	[tilespmem:s11+$0x12290] =	vst v3  }
0xf5: {  	v7 =	vadd.f32 v7, v8;
	v2 =	vadd.f32 v10, v2;
	[tilespmem:s11+$0x122A0] =	vst v1  }
0xf6: {  	v4 =	vadd.f32 v9, v4;
	v5 =	vadd.f32 v17, v6;
	[tilespmem:s11+$0x122F0] =	vst v0  }
0xf7: {  	v3 =	vadd.f32 v18, v7;
	[tilespmem:s11+$0x122E0] =	vst v2  }
0xf8: {  	v1 =	vadd.f32 v11, v4;
	[tilespmem:s11+$0x122B0] =	vst v5  }
0xf9: {  	[tilespmem:s11+$0x122C0] =	vst v3  }
0xfa: {  	s14 =	simm.s32 @!p0 $0x32;
	s15 =	simm.s32 @!p0 $0xCC00;
	s13 =	sadd.s32 @!p0 $0x680, s12;
	[tilespmem:s11+$0x122D0] =	vst v1  }
0xfb: {  	[tilespmem:s15], [sflag:$0x6] =	stream.indirect.gather @!p0 [hbm4b:s2+s14], $0x80, s13, s14, $0xb8;
	[tilespmem:$0x16000] =	vst v63  }
0xfc: {  	_ =	swait.ge [sflag:s31], $0x1900  }
0xfd: {  	[sflag:s31] =	ssyncset.done $0x0  }
0xfe: {  	s15 =	simm.s32 $0x0;
	[sflag:s31] =	ssyncadd.s32 $0xFFFFE700  }
0xff: {  	v0 =	vld [tilespmem:s15+$0xE870]  }
0x100: {  	v2 =	vld [tilespmem:s15+$0xE800]  }
0x101: {  	v3 =	vld [tilespmem:s15+$0xE810]  }
0x102: {  	v11 =	vld [tilespmem:s15+$0xE820]  }
0x103: {  	v10 =	vld [tilespmem:s15+$0xE830]  }
0x104: {  	v8 =	vimm.f32 $0.0e+00;
	v1 =	vimm.f32 $0.0e+00;
	v7 =	vld [tilespmem:s15+$0xE840]  }
0x105: {  	v6 =	vimm.f32 $0.0e+00;
	v4 =	vimm.f32 $0.0e+00;
	v9 =	vld [tilespmem:s15+$0xE850];
	v0 =	vadd.f32 v0, v1  }
0x106: {  	s13 =	simm.s32 $0x80;
	s14 =	simm.s32 $0x400;
	v12 =	vld [tilespmem:s15+$0xE860];
	v5 =	vadd.f32 v2, v1;
	v3 =	vadd.f32 v3, v1;
	v2 =	vimm.f32 $0.0e+00  }
.LBB2_15:
0x107: {  	p1 =	sne.s32 s14, $0x6200;
	v13 =	vld [tilespmem:s13+$0xE870];
	v1 =	vadd.f32 v11, v1  }
0x108: {  	v14 =	vld [tilespmem:s13+$0xE800];
	v6 =	vadd.f32 v10, v6  }
0x109: {  	v15 =	vld [tilespmem:s13+$0xE810];
	v8 =	vadd.f32 v7, v8  }
.Ltmp8:
0x10a: {  	v11 =	vld [tilespmem:s13+$0xE820];
	v4 =	vadd.f32 v9, v4;
	(pc) =	sbr.rel @p1 .LBB2_15-.Ltmp8, $4  }
0x10b: {  	v10 =	vld [tilespmem:s13+$0xE830];
	v2 =	vadd.f32 v12, v2  }
0x10c: {  	v7 =	vld [tilespmem:s13+$0xE840];
	v0 =	vadd.f32 v13, v0  }
0x10d: {  	v5 =	vadd.f32 v14, v5;
	v9 =	vld [tilespmem:s13+$0xE850]  }
0x10e: {  	v3 =	vadd.f32 v15, v3;
	v12 =	vld [tilespmem:s13+$0xE860];
	s13 =	sshra.s32 s14, $0x2;
	s14 =	sadd.s32 $0x200, s14  }
0x10f: {  	v14 =	vld [tilespmem:s13+$0xE800]  }
0x110: {  	v15 =	vld [tilespmem:s13+$0xE810]  }
0x111: {  	v16 =	vld [tilespmem:s13+$0xE820]  }
0x112: {  	v13 =	vld [tilespmem:s13+$0xE870]  }
0x113: {  	v6 =	vadd.f32 v10, v6;
	v10 =	vld [tilespmem:s13+$0xE860]  }
0x114: {  	v17 =	vld [tilespmem:s13+$0xE830];
	v1 =	vadd.f32 v11, v1;
	v5 =	vadd.f32 v14, v5  }
0x115: {  	v18 =	vld [tilespmem:s13+$0xE840];
	v3 =	vadd.f32 v15, v3  }
0x116: {  	v11 =	vld [tilespmem:s13+$0xE850];
	v2 =	vadd.f32 v12, v2;
	v1 =	vadd.f32 v16, v1;
	[tilespmem:s11+$0x12300] =	vst v5  }
0x117: {  	v0 =	vadd.f32 v13, v0;
	[tilespmem:s11+$0x12310] =	vst v3  }
0x118: {  	v7 =	vadd.f32 v7, v8;
	v2 =	vadd.f32 v10, v2;
	[tilespmem:s11+$0x12320] =	vst v1  }
0x119: {  	v4 =	vadd.f32 v9, v4;
	v5 =	vadd.f32 v17, v6;
	[tilespmem:s11+$0x12370] =	vst v0  }
0x11a: {  	v3 =	vadd.f32 v18, v7;
	[tilespmem:s11+$0x12360] =	vst v2  }
0x11b: {  	v1 =	vadd.f32 v11, v4;
	[tilespmem:s11+$0x12330] =	vst v5  }
0x11c: {  	[tilespmem:s11+$0x12340] =	vst v3  }
0x11d: {  	s12 =	sadd.s32 @!p0 $0x700, s12;
	s14 =	simm.s32 @!p0 $0xE800;
	s13 =	simm.s32 @!p0 $0x32;
	[tilespmem:s11+$0x12350] =	vst v1  }
0x11e: {  	[tilespmem:s14], [sflag:$0x7] =	stream.indirect.gather @!p0 [hbm4b:s2+s13], $0x80, s12, s13, $0xb8;
	[tilespmem:$0x16000] =	vst v63  }
0x11f: {  	_ =	swait.ge [sflag:s0], $0x1900  }
0x120: {  	[sflag:s0] =	ssyncset.done $0x0  }
0x121: {  	s15 =	simm.s32 $0x0;
	[sflag:s0] =	ssyncadd.s32 $0xFFFFE700  }
0x122: {  	v0 =	vld [tilespmem:s15+$0x10470]  }
0x123: {  	v2 =	vld [tilespmem:s15+$0x10400]  }
0x124: {  	v3 =	vld [tilespmem:s15+$0x10410]  }
0x125: {  	v11 =	vld [tilespmem:s15+$0x10420]  }
0x126: {  	v10 =	vld [tilespmem:s15+$0x10430]  }
0x127: {  	v8 =	vimm.f32 $0.0e+00;
	v1 =	vimm.f32 $0.0e+00;
	v7 =	vld [tilespmem:s15+$0x10440]  }
0x128: {  	v6 =	vimm.f32 $0.0e+00;
	v4 =	vimm.f32 $0.0e+00;
	v9 =	vld [tilespmem:s15+$0x10450];
	v0 =	vadd.f32 v0, v1  }
0x129: {  	s12 =	simm.s32 $0x80;
	s13 =	simm.s32 $0x400;
	v12 =	vld [tilespmem:s15+$0x10460];
	v5 =	vadd.f32 v2, v1;
	v3 =	vadd.f32 v3, v1;
	v2 =	vimm.f32 $0.0e+00  }
.LBB2_17:
0x12a: {  	p1 =	sne.s32 s13, $0x6200;
	v13 =	vld [tilespmem:s12+$0x10470];
	v1 =	vadd.f32 v11, v1  }
0x12b: {  	v14 =	vld [tilespmem:s12+$0x10400];
	v6 =	vadd.f32 v10, v6  }
0x12c: {  	v15 =	vld [tilespmem:s12+$0x10410];
	v8 =	vadd.f32 v7, v8  }
.Ltmp9:
0x12d: {  	v11 =	vld [tilespmem:s12+$0x10420];
	v4 =	vadd.f32 v9, v4;
	(pc) =	sbr.rel @p1 .LBB2_17-.Ltmp9, $4  }
0x12e: {  	v10 =	vld [tilespmem:s12+$0x10430];
	v2 =	vadd.f32 v12, v2  }
0x12f: {  	v7 =	vld [tilespmem:s12+$0x10440];
	v0 =	vadd.f32 v13, v0  }
0x130: {  	v5 =	vadd.f32 v14, v5;
	v9 =	vld [tilespmem:s12+$0x10450]  }
0x131: {  	v3 =	vadd.f32 v15, v3;
	v12 =	vld [tilespmem:s12+$0x10460];
	s12 =	sshra.s32 s13, $0x2;
	s13 =	sadd.s32 $0x200, s13  }
0x132: {  	v14 =	vld [tilespmem:s12+$0x10400]  }
0x133: {  	v15 =	vld [tilespmem:s12+$0x10410]  }
0x134: {  	v16 =	vld [tilespmem:s12+$0x10420]  }
0x135: {  	v17 =	vld [tilespmem:s12+$0x10430]  }
0x136: {  	v18 =	vld [tilespmem:s12+$0x10440]  }
0x137: {  	v1 =	vadd.f32 v11, v1;
	v59 =	vld [tilespmem:s12+$0x10450];
	v5 =	vadd.f32 v14, v5  }
0x138: {  	v13 =	vld [tilespmem:s12+$0x10470];
	v6 =	vadd.f32 v10, v6;
	v3 =	vadd.f32 v15, v3  }
0x139: {  	v60 =	vld [tilespmem:s12+$0x10460];
	v7 =	vadd.f32 v7, v8;
	v1 =	vadd.f32 v16, v1;
	[tilespmem:s11+$0x12380] =	vst v5  }
0x13a: {  	v4 =	vadd.f32 v9, v4;
	v61 =	vadd.f32 v17, v6;
	[tilespmem:s11+$0x12390] =	vst v3  }
0x13b: {  	v62 =	vadd.f32 v18, v7;
	[tilespmem:s11+$0x123A0] =	vst v1  }
.Ltmp10:
0x13c: {  	v2 =	vadd.f32 v12, v2;
	v63 =	vadd.f32 v59, v4;
	[tilespmem:s11+$0x123B0] =	vst v61;
	(pc) =	sbr.rel @p0 .LBB2_20-.Ltmp10, $4  }
0x13d: {  	v0 =	vadd.f32 v13, v0;
	[tilespmem:s11+$0x123C0] =	vst v62  }
0x13e: {  	v2 =	vadd.f32 v60, v2;
	[tilespmem:s11+$0x123D0] =	vst v63  }
0x13f: {  	[tilespmem:s11+$0x123F0] =	vst v0  }
0x140: {  	[tilespmem:s11+$0x123E0] =	vst v2  }
.Ltmp11:
0x141: {  	(pc) =	sbr.rel .LBB2_2-.Ltmp11, $3  }
0x142: {  	_ =	sdelay $0x1  }
0x143: {  	s11 =	sadd.s32 $0x780, s11;
	s10 =	sadd.s32 $0x1, s10  }
0x144: {  	[tilespmem:s23], [sflag:$0x8] =	stream.indirect.gather [hbm4b:s2+s8], $0x80, s11, s8, $0xb8;
	[tilespmem:$0x16000] =	vst v63  }
.LBB2_21:
0x145: {  	_ =	sfence.sel $0x180000  }
0x146: {  	[bflag:$0x0] =	sbarrier.arrive $0xFFFF  }
0x147: {  	_ =	strace $0x90000047  }
0x148: {  	s0 =	stileid.u32;
	[bflag:$0x2] =	sbarrier.arrive $0xFFFF  }
0x149: {  	p0 =	sne.s32 s0, $0x0;
	s0 =	rddreg [dreg:$0x2]  }
0x14a: {  	s0 =	sadd.s32 @!p0 $0x100000, s0  }
0x14b: {  	[sflag:s0] =	ssyncadd.tile.s32 @!p0 $0x1;
	_ =	shalt  }
.Lfunc_end2:
_tile_overlayer_lowered:
.L_overlay_start_2:
0x14c: {  	(tag) =	ssettag $0x2  }
0x14d: {  	s0 =	rddreg [dreg:$0x0];
	s2 =	stileid.u32  }
0x14e: {  	s1 =	rddreg [dreg:$0x1];
	p0 =	sne.s32 s2, $0x0  }
0x14f: {  	s3 =	rddreg [dreg:$0x2];
	[bflag:$0x3] =	sbarrier.arrive $0xFFFF;
	s2 =	simm.s32 @!p0 $0x1C09  }
0x150: {  	[timem:s3], [sflag:s2] =	dma.local @!p0 [hbm:s0], s1  }
0x151: {  	s0 =	simm.s32 @!p0 $0x9  }
0x152: {  	_ =	swait.ge @!p0 [sflag:s0], s1  }
0x153: {  	s1 =	ssub.s32 @!p0 $0x0, s1;
	[sflag:s0] =	ssyncset.done @!p0 $0x0  }
0x154: {  	[sflag:s0] =	ssyncadd.s32 @!p0 s1  }
0x155: {  	[bflag:$0x3] =	sbarrier.arrive $0xFFFF  }
0x156: {  	_ =	shalt  }

</sc_bundles>
